<compile_context>
chip_gen: v7x
topology: tpu7x:2x2x1
jax: 0.10.2.dev20260603
libtpu: 0.0.44.dev20260713+nightly
codegen_flags: <defaults>
</compile_context>

<pallas_src>
import functools

import jax
import jax.numpy as jnp
from jax import lax
from jax.experimental import pallas as pl
from jax.experimental.pallas import tpu as pltpu
from jax.experimental.pallas import tpu_sc as plsc

B = 128
L = 8192
H = 64
V = 256
NUM_SLOTS = 128
BODY = L - 3

_NC = 2
_NS = 16
_NW = _NC * _NS
_RPW = B // _NW
_LANES = 16


_UNROLL = 16


def _sc_hist_body(seq_hbm, cnt_hbm, seq_v, cnt_v, sem):
    wid = lax.axis_index("s") * _NC + lax.axis_index("c")
    base = wid * _RPW
    ones = jnp.ones((_LANES,), jnp.int32)
    zeros = jnp.zeros((_LANES,), jnp.int32)
    nfull = BODY // _LANES
    rem = BODY - nfull * _LANES
    nun = nfull // _UNROLL
    ntail = nfull - nun * _UNROLL
    mask_rem = lax.iota(jnp.int32, _LANES) < rem

    copies = [pltpu.async_copy(seq_hbm.at[base + r], seq_v.at[r], sem)
              for r in range(_RPW)]

    @plsc.parallel_loop(0, (_RPW * V) // _LANES, unroll=4)
    def zero_body(i):
        cnt_v[pl.ds(i * _LANES, _LANES)] = zeros

    for r in range(_RPW):
        copies[r].wait()
        rb = r
        row = cnt_v.at[pl.ds(r * V, V)]

        @plsc.parallel_loop(0, nun * _UNROLL, unroll=_UNROLL)
        def acc_body(i):
            tok = seq_v[rb, pl.ds(i * _LANES, _LANES)]
            plsc.addupdate_scatter(row, [tok], ones)

        for u in range(ntail):
            tok = seq_v[rb, pl.ds((nun * _UNROLL + u) * _LANES, _LANES)]
            plsc.addupdate_scatter(row, [tok], ones)
        if rem:
            tok = seq_v[rb, pl.ds(nfull * _LANES, _LANES)]
            plsc.addupdate_scatter(row, [tok], ones, mask=mask_rem)

    pltpu.sync_copy(cnt_v, cnt_hbm.at[pl.ds(base * V, _RPW * V)])


@functools.cache
def _sc_hist():
    return functools.partial(
        pl.kernel,
        out_type=jax.ShapeDtypeStruct((B * V,), jnp.int32),
        mesh=plsc.VectorSubcoreMesh(core_axis_name="c", subcore_axis_name="s"),
        compiler_params=pltpu.CompilerParams(needs_layout_passes=False),
        scratch_types=[
            pltpu.VMEM((_RPW, L), jnp.int32),
            pltpu.VMEM((_RPW * V,), jnp.int32),
            pltpu.SemaphoreType.DMA,
        ],
    )(_sc_hist_body)


def _mm(a, b, dims):
    return lax.dot_general(a, b, (dims, ((), ())),
                           precision=lax.Precision.HIGHEST)


def _tc_prep_body(last_ref, embed_ref, W1_ref, b1_ref, W2_ref, b2_ref,
                  gamma_ref, beta_ref, Wq_ref, bq_ref, ht_ref, higher_ref,
                  ew_ref):
    f32 = jnp.float32

    e = embed_ref[...]
    ff = _mm(jnp.maximum(_mm(e, W1_ref[...], ((1,), (0,))) + b1_ref[...], 0.0),
             W2_ref[...], ((1,), (0,))) + b2_ref[...]
    x = e + ff
    m = jnp.mean(x, axis=1, keepdims=True)
    xc = x - m
    var = jnp.mean(xc * xc, axis=1, keepdims=True)
    ht = xc / jnp.sqrt(var + 1e-5) * gamma_ref[...] + beta_ref[...]
    ht_ref[...] = ht

    n2c = jnp.sum(ht * ht, axis=1, keepdims=True)
    n2r = _mm(jnp.ones((1, 1), f32), n2c, ((1,), (1,)))

    iu = lax.broadcasted_iota(jnp.int32, (V, V), 0)
    iv = lax.broadcasted_iota(jnp.int32, (V, V), 1)
    higher_ref[...] = jnp.where(
        (n2c > n2r) | ((n2c == n2r) & (iu < iv)), 1.0, 0.0)

    lt = last_ref[...]
    ohot = jnp.where(lt == lax.broadcasted_iota(jnp.int32, (B, V), 1), 1.0, 0.0)
    hlast = _mm(ohot, ht, ((1,), (0,)))
    q = _mm(hlast, Wq_ref[...], ((1,), (0,))) + bq_ref[...]
    s = _mm(q, ht, ((1,), (1,))) * jnp.float32(1.0 / (H ** 0.5))
    smax = jnp.max(s, axis=1, keepdims=True)
    ew_ref[...] = jnp.exp(s - smax)


_tc_prep = pl.pallas_call(
    _tc_prep_body,
    out_shape=(
        jax.ShapeDtypeStruct((V, H), jnp.float32),
        jax.ShapeDtypeStruct((V, V), jnp.float32),
        jax.ShapeDtypeStruct((B, V), jnp.float32),
    ),
)


def _tc_final_body(cnt_ref, ht_ref, higher_ref, ew_ref, Wo_ref, bo_ref,
                   out_ref):
    cnt = cnt_ref[...].astype(jnp.float32)
    ahead = _mm(cnt, higher_ref[...], ((1,), (0,)))
    m_sel = jnp.clip(jnp.float32(NUM_SLOTS) - ahead, 0.0, cnt)

    w = m_sel * ew_ref[...]
    den = jnp.sum(w, axis=1, keepdims=True)
    pooled = _mm(w, ht_ref[...], ((1,), (0,))) / den
    out_ref[...] = _mm(pooled, Wo_ref[...], ((1,), (0,))) + bo_ref[...]


_tc_final = pl.pallas_call(
    _tc_final_body,
    out_shape=jax.ShapeDtypeStruct((B, V), jnp.float32),
)


def kernel(seq, embed, W1, b1, W2, b2, gamma, beta, Wq, bq, Wo, bo):
    cnt = _sc_hist()(seq).reshape(B, V)
    last = seq[:, L - 1:L]
    ht, higher, ew = _tc_prep(
        last, embed, W1, b1.reshape(1, -1), W2, b2.reshape(1, -1),
        gamma.reshape(1, -1), beta.reshape(1, -1), Wq, bq.reshape(1, -1))
    return _tc_final(cnt, ht, higher, ew, Wo, bo.reshape(1, -1))

# --- scband reference (transcript-rebuilt; emitter-appended) ---
"""Pipeline reference for scband-slot-memory-model-3204045603473 (READ-ONLY COPY).

The authoritative reference and input builder live on the scoring server;
editing this copy changes nothing except your own understanding.
"""

import jax, jax.numpy as jnp
import numpy as np

B = 128
L = 8192
H = 64
V = 256
NUM_SLOTS = 128


def layer_norm(x, gamma, beta, eps=1e-5):
    m = x.mean(-1, keepdims=True)
    v = ((x - m) ** 2).mean(-1, keepdims=True)
    return (x - m) / jnp.sqrt(v + eps) * gamma + beta


def setup_inputs(seed: int = 0) -> dict:
    key = jax.random.key(seed)
    ks = jax.random.split(key, 12)
    s = 0.05
    return {
        "seq": jax.random.randint(ks[0], (B, L), 0, V, dtype=jnp.int32),
        "embed": jax.random.normal(ks[1], (V, H), dtype=jnp.float32) * s,
        "W1": jax.random.normal(ks[2], (H, 2 * H), dtype=jnp.float32) * s,
        "b1": jnp.zeros((2 * H,), dtype=jnp.float32),
        "W2": jax.random.normal(ks[3], (2 * H, H), dtype=jnp.float32) * s,
        "b2": jnp.zeros((H,), dtype=jnp.float32),
        "gamma": jnp.ones((H,), dtype=jnp.float32),
        "beta": jnp.zeros((H,), dtype=jnp.float32),
        "Wq": jax.random.normal(ks[4], (H, H), dtype=jnp.float32) * s,
        "bq": jnp.zeros((H,), dtype=jnp.float32),
        "Wo": jax.random.normal(ks[5], (H, V), dtype=jnp.float32) * s,
        "bo": jnp.zeros((V,), dtype=jnp.float32),
    }


def reference(seq, embed, W1, b1, W2, b2, gamma, beta, Wq, bq, Wo, bo):
    # Encoder
    h0 = jnp.take(embed, seq, axis=0)  # [B, L, H] embedding gather
    ff = jnp.maximum(h0 @ W1 + b1, 0.0) @ W2 + b2
    h = layer_norm(h0 + ff, gamma, beta)

    # Slot selection via top-k on norms of all but last 3 positions
    body = h[:, :-3, :]  # [B, L-3, H]
    norms = jnp.linalg.norm(body, axis=-1)  # [B, L-3]
    k = min(NUM_SLOTS, L - 3)
    _, idx = jax.lax.top_k(norms, k)  # [B, k]
    slots = jnp.take_along_axis(body, idx[:, :, None], axis=1)  # [B, k, H]
    if k < NUM_SLOTS:
        slots = jnp.concatenate(
            [slots, jnp.zeros((B, NUM_SLOTS - k, H), dtype=slots.dtype)], axis=1
        )

    # Query attention over slots
    q = (h[:, -1, :] @ Wq + bq)[:, None, :]  # [B, 1, H]
    logits = jnp.einsum("bqh,bkh->bqk", q, slots) / (H ** 0.5)
    attn = jax.nn.softmax(logits, axis=-1)
    pooled = jnp.einsum("bqk,bkh->bqh", attn, slots)[:, 0, :]  # [B, H]
    return pooled @ Wo + bo  # [B, V]

if __name__ == "__main__":
    import jax
    _d = setup_inputs()
    print(jax.jit(kernel)(*tuple(_d.values())))

</pallas_src>

<mosaic_0001>
#map = affine_map<(d0, d1) -> (0, 0)>
#map1 = affine_map<(d0, d1) -> (0)>
module attributes {stable_mosaic.version = 14 : i64} {
  func.func @_sc_hist_body(%arg0: i32, %arg1: i32, %arg2: memref<128x8192xi32, #tpu.memory_space<hbm>>, %arg3: memref<32768xi32, #tpu.memory_space<hbm>>, %arg4: memref<4x8192xi32, #tpu.memory_space<vmem>>, %arg5: memref<1024xi32, #tpu.memory_space<vmem>>, %arg6: memref<!tpu.dma_semaphore, #tpu.memory_space<semaphore_mem>>) attributes {dimension_semantics = [#tpu.dimension_semantics<core_parallel>, #tpu.dimension_semantics<subcore_parallel>], iteration_bounds = array<i64: 2, 16>, scalar_prefetch = 0 : i64, scratch_operands = 3 : i64, tpu.core_type = #tpu.core_type<sc_vector_subcore>, window_params = [{transform_indices = #map}, {transform_indices = #map1}]} {
    %mul3A = arith.constant 2 : i32
    %mul3A_0 = arith.muli %arg1, %mul3A : i32
    %add3A = arith.addi %mul3A_0, %arg0 : i32
    %mul3A_1 = arith.constant 4 : i32
    %mul3A_2 = arith.muli %add3A, %mul3A_1 : i32
    %broadcast_in_dim3A = arith.constant 1 : i32
    %broadcast_in_dim3A_3 = vector.broadcast %broadcast_in_dim3A : i32 to vector<16xi32>
    %broadcast_in_dim3A_4 = arith.constant 0 : i32
    %broadcast_in_dim3A_5 = vector.broadcast %broadcast_in_dim3A_4 : i32 to vector<16xi32>
    %iota3A = tpu.iota {dimensions = array<i32: 0>} : vector<16xi32>
    %lt3A = arith.constant 13 : i32
    %lt3A_6 = vector.broadcast %lt3A : i32 to vector<16xi32>
    %lt3A_7 = arith.cmpi slt, %iota3A, %lt3A_6 : vector<16xi32>
    %add3A_8 = arith.constant 0 : i32
    %add3A_9 = arith.addi %mul3A_2, %add3A_8 : i32
    %dma_start3A = arith.constant 0 : i32
    %dma_start3A_10 = arith.constant 0 : i32
    %dma_start3A_11 = tpu.memref_slice %arg4[%dma_start3A, %dma_start3A_10] : memref<4x8192xi32, #tpu.memory_space<vmem>> -> memref<1x8192xi32, #tpu.memory_space<vmem>>
    %dma_start3A_12 = tpu.memref_squeeze %dma_start3A_11 : memref<1x8192xi32, #tpu.memory_space<vmem>> -> memref<8192xi32, #tpu.memory_space<vmem>>
    %dma_start3A_13 = arith.constant 0 : i32
    %dma_start3A_14 = tpu.memref_slice %arg2[%add3A_9, %dma_start3A_13] : memref<128x8192xi32, #tpu.memory_space<hbm>> -> memref<1x8192xi32, #tpu.memory_space<hbm>>
    %dma_start3A_15 = tpu.memref_squeeze %dma_start3A_14 : memref<1x8192xi32, #tpu.memory_space<hbm>> -> memref<8192xi32, #tpu.memory_space<hbm>>
    %dma_start3A_16 = arith.constant 0 : i32
    %dma_start3A_17 = tpu.memref_slice %arg4[%dma_start3A, %dma_start3A_16] : memref<4x8192xi32, #tpu.memory_space<vmem>> -> memref<1x8192xi32, #tpu.memory_space<vmem>>
    %dma_start3A_18 = tpu.memref_squeeze %dma_start3A_17 : memref<1x8192xi32, #tpu.memory_space<vmem>> -> memref<8192xi32, #tpu.memory_space<vmem>>
    %dma_start3A_19 = arith.constant 0 : i32
    %dma_start3A_20 = tpu.memref_slice %arg2[%add3A_9, %dma_start3A_19] : memref<128x8192xi32, #tpu.memory_space<hbm>> -> memref<1x8192xi32, #tpu.memory_space<hbm>>
    %dma_start3A_21 = tpu.memref_squeeze %dma_start3A_20 : memref<1x8192xi32, #tpu.memory_space<hbm>> -> memref<8192xi32, #tpu.memory_space<hbm>>
    tpu.enqueue_dma source(%dma_start3A_21 : memref<8192xi32, #tpu.memory_space<hbm>>) target(%dma_start3A_18 : memref<8192xi32, #tpu.memory_space<vmem>>) target_semaphore(%arg6 : memref<!tpu.dma_semaphore, #tpu.memory_space<semaphore_mem>>)
    %add3A_22 = arith.constant 1 : i32
    %add3A_23 = arith.addi %mul3A_2, %add3A_22 : i32
    %dma_start3A_24 = arith.constant 1 : i32
    %dma_start3A_25 = arith.constant 0 : i32
    %dma_start3A_26 = tpu.memref_slice %arg4[%dma_start3A_24, %dma_start3A_25] : memref<4x8192xi32, #tpu.memory_space<vmem>> -> memref<1x8192xi32, #tpu.memory_space<vmem>>
    %dma_start3A_27 = tpu.memref_squeeze %dma_start3A_26 : memref<1x8192xi32, #tpu.memory_space<vmem>> -> memref<8192xi32, #tpu.memory_space<vmem>>
    %dma_start3A_28 = arith.constant 0 : i32
    %dma_start3A_29 = tpu.memref_slice %arg2[%add3A_23, %dma_start3A_28] : memref<128x8192xi32, #tpu.memory_space<hbm>> -> memref<1x8192xi32, #tpu.memory_space<hbm>>
    %dma_start3A_30 = tpu.memref_squeeze %dma_start3A_29 : memref<1x8192xi32, #tpu.memory_space<hbm>> -> memref<8192xi32, #tpu.memory_space<hbm>>
    %dma_start3A_31 = arith.constant 0 : i32
    %dma_start3A_32 = tpu.memref_slice %arg4[%dma_start3A_24, %dma_start3A_31] : memref<4x8192xi32, #tpu.memory_space<vmem>> -> memref<1x8192xi32, #tpu.memory_space<vmem>>
    %dma_start3A_33 = tpu.memref_squeeze %dma_start3A_32 : memref<1x8192xi32, #tpu.memory_space<vmem>> -> memref<8192xi32, #tpu.memory_space<vmem>>
    %dma_start3A_34 = arith.constant 0 : i32
    %dma_start3A_35 = tpu.memref_slice %arg2[%add3A_23, %dma_start3A_34] : memref<128x8192xi32, #tpu.memory_space<hbm>> -> memref<1x8192xi32, #tpu.memory_space<hbm>>
    %dma_start3A_36 = tpu.memref_squeeze %dma_start3A_35 : memref<1x8192xi32, #tpu.memory_space<hbm>> -> memref<8192xi32, #tpu.memory_space<hbm>>
    tpu.enqueue_dma source(%dma_start3A_36 : memref<8192xi32, #tpu.memory_space<hbm>>) target(%dma_start3A_33 : memref<8192xi32, #tpu.memory_space<vmem>>) target_semaphore(%arg6 : memref<!tpu.dma_semaphore, #tpu.memory_space<semaphore_mem>>)
    %add3A_37 = arith.constant 2 : i32
    %add3A_38 = arith.addi %mul3A_2, %add3A_37 : i32
    %dma_start3A_39 = arith.constant 2 : i32
    %dma_start3A_40 = arith.constant 0 : i32
    %dma_start3A_41 = tpu.memref_slice %arg4[%dma_start3A_39, %dma_start3A_40] : memref<4x8192xi32, #tpu.memory_space<vmem>> -> memref<1x8192xi32, #tpu.memory_space<vmem>>
    %dma_start3A_42 = tpu.memref_squeeze %dma_start3A_41 : memref<1x8192xi32, #tpu.memory_space<vmem>> -> memref<8192xi32, #tpu.memory_space<vmem>>
    %dma_start3A_43 = arith.constant 0 : i32
    %dma_start3A_44 = tpu.memref_slice %arg2[%add3A_38, %dma_start3A_43] : memref<128x8192xi32, #tpu.memory_space<hbm>> -> memref<1x8192xi32, #tpu.memory_space<hbm>>
    %dma_start3A_45 = tpu.memref_squeeze %dma_start3A_44 : memref<1x8192xi32, #tpu.memory_space<hbm>> -> memref<8192xi32, #tpu.memory_space<hbm>>
    %dma_start3A_46 = arith.constant 0 : i32
    %dma_start3A_47 = tpu.memref_slice %arg4[%dma_start3A_39, %dma_start3A_46] : memref<4x8192xi32, #tpu.memory_space<vmem>> -> memref<1x8192xi32, #tpu.memory_space<vmem>>
    %dma_start3A_48 = tpu.memref_squeeze %dma_start3A_47 : memref<1x8192xi32, #tpu.memory_space<vmem>> -> memref<8192xi32, #tpu.memory_space<vmem>>
    %dma_start3A_49 = arith.constant 0 : i32
    %dma_start3A_50 = tpu.memref_slice %arg2[%add3A_38, %dma_start3A_49] : memref<128x8192xi32, #tpu.memory_space<hbm>> -> memref<1x8192xi32, #tpu.memory_space<hbm>>
    %dma_start3A_51 = tpu.memref_squeeze %dma_start3A_50 : memref<1x8192xi32, #tpu.memory_space<hbm>> -> memref<8192xi32, #tpu.memory_space<hbm>>
    tpu.enqueue_dma source(%dma_start3A_51 : memref<8192xi32, #tpu.memory_space<hbm>>) target(%dma_start3A_48 : memref<8192xi32, #tpu.memory_space<vmem>>) target_semaphore(%arg6 : memref<!tpu.dma_semaphore, #tpu.memory_space<semaphore_mem>>)
    %add3A_52 = arith.constant 3 : i32
    %add3A_53 = arith.addi %mul3A_2, %add3A_52 : i32
    %dma_start3A_54 = arith.constant 3 : i32
    %dma_start3A_55 = arith.constant 0 : i32
    %dma_start3A_56 = tpu.memref_slice %arg4[%dma_start3A_54, %dma_start3A_55] : memref<4x8192xi32, #tpu.memory_space<vmem>> -> memref<1x8192xi32, #tpu.memory_space<vmem>>
    %dma_start3A_57 = tpu.memref_squeeze %dma_start3A_56 : memref<1x8192xi32, #tpu.memory_space<vmem>> -> memref<8192xi32, #tpu.memory_space<vmem>>
    %dma_start3A_58 = arith.constant 0 : i32
    %dma_start3A_59 = tpu.memref_slice %arg2[%add3A_53, %dma_start3A_58] : memref<128x8192xi32, #tpu.memory_space<hbm>> -> memref<1x8192xi32, #tpu.memory_space<hbm>>
    %dma_start3A_60 = tpu.memref_squeeze %dma_start3A_59 : memref<1x8192xi32, #tpu.memory_space<hbm>> -> memref<8192xi32, #tpu.memory_space<hbm>>
    %dma_start3A_61 = arith.constant 0 : i32
    %dma_start3A_62 = tpu.memref_slice %arg4[%dma_start3A_54, %dma_start3A_61] : memref<4x8192xi32, #tpu.memory_space<vmem>> -> memref<1x8192xi32, #tpu.memory_space<vmem>>
    %dma_start3A_63 = tpu.memref_squeeze %dma_start3A_62 : memref<1x8192xi32, #tpu.memory_space<vmem>> -> memref<8192xi32, #tpu.memory_space<vmem>>
    %dma_start3A_64 = arith.constant 0 : i32
    %dma_start3A_65 = tpu.memref_slice %arg2[%add3A_53, %dma_start3A_64] : memref<128x8192xi32, #tpu.memory_space<hbm>> -> memref<1x8192xi32, #tpu.memory_space<hbm>>
    %dma_start3A_66 = tpu.memref_squeeze %dma_start3A_65 : memref<1x8192xi32, #tpu.memory_space<hbm>> -> memref<8192xi32, #tpu.memory_space<hbm>>
    tpu.enqueue_dma source(%dma_start3A_66 : memref<8192xi32, #tpu.memory_space<hbm>>) target(%dma_start3A_63 : memref<8192xi32, #tpu.memory_space<vmem>>) target_semaphore(%arg6 : memref<!tpu.dma_semaphore, #tpu.memory_space<semaphore_mem>>)
    %parallel_loop3A = arith.constant 0 : i32
    %parallel_loop3A_67 = arith.constant 64 : i32
    %parallel_loop3A_68 = arith.constant 1 : i32
    scf.for %parallel_loop3A_516 = %parallel_loop3A to %parallel_loop3A_67 step %parallel_loop3A_68  : i32 {
      %parallel_loop3A_517 = arith.constant 16 : i32
      %parallel_loop3A_518 = arith.muli %parallel_loop3A_516, %parallel_loop3A_517 : i32
      %parallel_loop3A_519 = arith.index_cast %parallel_loop3A_518 : i32 to index
      %parallel_loop3A_520 = tpu.vector_load %arg5[%parallel_loop3A_519] {strides = array<i32>} : memref<1024xi32, #tpu.memory_space<vmem>>, vector<16xi32>,
      tpu.vector_store %arg5[%parallel_loop3A_519], %broadcast_in_dim3A_5 {strides = array<i32>} : memref<1024xi32, #tpu.memory_space<vmem>>, vector<16xi32>,
    } {sc.loop_unroll_factor = 4 : i64, sc.parallel_access}
    %dma_wait3A = arith.constant 0 : i32
    %dma_wait3A_69 = arith.constant 0 : i32
    %dma_wait3A_70 = tpu.memref_slice %arg4[%dma_wait3A, %dma_wait3A_69] : memref<4x8192xi32, #tpu.memory_space<vmem>> -> memref<1x8192xi32, #tpu.memory_space<vmem>>
    %dma_wait3A_71 = tpu.memref_squeeze %dma_wait3A_70 : memref<1x8192xi32, #tpu.memory_space<vmem>> -> memref<8192xi32, #tpu.memory_space<vmem>>
    %dma_wait3A_72 = arith.constant 0 : i32
    %dma_wait3A_73 = tpu.memref_slice %arg2[%add3A_9, %dma_wait3A_72] : memref<128x8192xi32, #tpu.memory_space<hbm>> -> memref<1x8192xi32, #tpu.memory_space<hbm>>
    %dma_wait3A_74 = tpu.memref_squeeze %dma_wait3A_73 : memref<1x8192xi32, #tpu.memory_space<hbm>> -> memref<8192xi32, #tpu.memory_space<hbm>>
    %dma_wait3A_75 = arith.constant 0 : i32
    %dma_wait3A_76 = tpu.memref_slice %arg4[%dma_wait3A, %dma_wait3A_75] : memref<4x8192xi32, #tpu.memory_space<vmem>> -> memref<1x8192xi32, #tpu.memory_space<vmem>>
    %dma_wait3A_77 = tpu.memref_squeeze %dma_wait3A_76 : memref<1x8192xi32, #tpu.memory_space<vmem>> -> memref<8192xi32, #tpu.memory_space<vmem>>
    %dma_wait3A_78 = arith.constant 0 : i32
    %dma_wait3A_79 = tpu.memref_slice %arg2[%add3A_9, %dma_wait3A_78] : memref<128x8192xi32, #tpu.memory_space<hbm>> -> memref<1x8192xi32, #tpu.memory_space<hbm>>
    %dma_wait3A_80 = tpu.memref_squeeze %dma_wait3A_79 : memref<1x8192xi32, #tpu.memory_space<hbm>> -> memref<8192xi32, #tpu.memory_space<hbm>>
    tpu.wait_dma2 semaphore(%arg6 : memref<!tpu.dma_semaphore, #tpu.memory_space<semaphore_mem>>) src(%dma_wait3A_80 : memref<8192xi32, #tpu.memory_space<hbm>>) dst(%dma_wait3A_77 : memref<8192xi32, #tpu.memory_space<vmem>>)
    %parallel_loop3A_81 = arith.constant 0 : i32
    %parallel_loop3A_82 = arith.constant 496 : i32
    %parallel_loop3A_83 = arith.constant 1 : i32
    scf.for %parallel_loop3A_516 = %parallel_loop3A_81 to %parallel_loop3A_82 step %parallel_loop3A_83  : i32 {
      %parallel_loop3A_517 = arith.constant 16 : i32
      %parallel_loop3A_518 = arith.muli %parallel_loop3A_516, %parallel_loop3A_517 : i32
      %parallel_loop3A_519 = arith.constant 0 : i32
      %parallel_loop3A_520 = arith.index_cast %parallel_loop3A_519 : i32 to index
      %parallel_loop3A_521 = arith.index_cast %parallel_loop3A_518 : i32 to index
      %parallel_loop3A_522 = tpu.vector_load %arg4[%parallel_loop3A_520, %parallel_loop3A_521] {strides = array<i32>} : memref<4x8192xi32, #tpu.memory_space<vmem>>, vector<16xi32>,
      %parallel_loop3A_523 = arith.constant 0 : i32
      %parallel_loop3A_524 = tpu.memref_slice %arg5[%parallel_loop3A_523] : memref<1024xi32, #tpu.memory_space<vmem>> -> memref<256xi32, #tpu.memory_space<vmem>>
      tpu.vector_store_idx %parallel_loop3A_524[%parallel_loop3A_522], %broadcast_in_dim3A_3 {add = true} : memref<256xi32, #tpu.memory_space<vmem>>[vector<16xi32>], vector<16xi32>,
    } {sc.loop_unroll_factor = 16 : i64, sc.parallel_access}
    %get3A = arith.constant 0 : i32
    %get3A_84 = arith.index_cast %get3A : i32 to index
    %get3A_85 = arith.constant 7936 : index
    %get3A_86 = tpu.vector_load %arg4[%get3A_84, %get3A_85] {strides = array<i32>} : memref<4x8192xi32, #tpu.memory_space<vmem>>, vector<16xi32>,
    %scatter3A = arith.constant 0 : i32
    %scatter3A_87 = tpu.memref_slice %arg5[%scatter3A] : memref<1024xi32, #tpu.memory_space<vmem>> -> memref<256xi32, #tpu.memory_space<vmem>>
    tpu.vector_store_idx %scatter3A_87[%get3A_86], %broadcast_in_dim3A_3 {add = true} : memref<256xi32, #tpu.memory_space<vmem>>[vector<16xi32>], vector<16xi32>,
    %get3A_88 = arith.constant 0 : i32
    %get3A_89 = arith.index_cast %get3A_88 : i32 to index
    %get3A_90 = arith.constant 7952 : index
    %get3A_91 = tpu.vector_load %arg4[%get3A_89, %get3A_90] {strides = array<i32>} : memref<4x8192xi32, #tpu.memory_space<vmem>>, vector<16xi32>,
    %scatter3A_92 = arith.constant 0 : i32
    %scatter3A_93 = tpu.memref_slice %arg5[%scatter3A_92] : memref<1024xi32, #tpu.memory_space<vmem>> -> memref<256xi32, #tpu.memory_space<vmem>>
    tpu.vector_store_idx %scatter3A_93[%get3A_91], %broadcast_in_dim3A_3 {add = true} : memref<256xi32, #tpu.memory_space<vmem>>[vector<16xi32>], vector<16xi32>,
    %get3A_94 = arith.constant 0 : i32
    %get3A_95 = arith.index_cast %get3A_94 : i32 to index
    %get3A_96 = arith.constant 7968 : index
    %get3A_97 = tpu.vector_load %arg4[%get3A_95, %get3A_96] {strides = array<i32>} : memref<4x8192xi32, #tpu.memory_space<vmem>>, vector<16xi32>,
    %scatter3A_98 = arith.constant 0 : i32
    %scatter3A_99 = tpu.memref_slice %arg5[%scatter3A_98] : memref<1024xi32, #tpu.memory_space<vmem>> -> memref<256xi32, #tpu.memory_space<vmem>>
    tpu.vector_store_idx %scatter3A_99[%get3A_97], %broadcast_in_dim3A_3 {add = true} : memref<256xi32, #tpu.memory_space<vmem>>[vector<16xi32>], vector<16xi32>,
    %get3A_100 = arith.constant 0 : i32
    %get3A_101 = arith.index_cast %get3A_100 : i32 to index
    %get3A_102 = arith.constant 7984 : index
    %get3A_103 = tpu.vector_load %arg4[%get3A_101, %get3A_102] {strides = array<i32>} : memref<4x8192xi32, #tpu.memory_space<vmem>>, vector<16xi32>,
    %scatter3A_104 = arith.constant 0 : i32
    %scatter3A_105 = tpu.memref_slice %arg5[%scatter3A_104] : memref<1024xi32, #tpu.memory_space<vmem>> -> memref<256xi32, #tpu.memory_space<vmem>>
    tpu.vector_store_idx %scatter3A_105[%get3A_103], %broadcast_in_dim3A_3 {add = true} : memref<256xi32, #tpu.memory_space<vmem>>[vector<16xi32>], vector<16xi32>,
    %get3A_106 = arith.constant 0 : i32
    %get3A_107 = arith.index_cast %get3A_106 : i32 to index
    %get3A_108 = arith.constant 8000 : index
    %get3A_109 = tpu.vector_load %arg4[%get3A_107, %get3A_108] {strides = array<i32>} : memref<4x8192xi32, #tpu.memory_space<vmem>>, vector<16xi32>,
    %scatter3A_110 = arith.constant 0 : i32
    %scatter3A_111 = tpu.memref_slice %arg5[%scatter3A_110] : memref<1024xi32, #tpu.memory_space<vmem>> -> memref<256xi32, #tpu.memory_space<vmem>>
    tpu.vector_store_idx %scatter3A_111[%get3A_109], %broadcast_in_dim3A_3 {add = true} : memref<256xi32, #tpu.memory_space<vmem>>[vector<16xi32>], vector<16xi32>,
    %get3A_112 = arith.constant 0 : i32
    %get3A_113 = arith.index_cast %get3A_112 : i32 to index
    %get3A_114 = arith.constant 8016 : index
    %get3A_115 = tpu.vector_load %arg4[%get3A_113, %get3A_114] {strides = array<i32>} : memref<4x8192xi32, #tpu.memory_space<vmem>>, vector<16xi32>,
    %scatter3A_116 = arith.constant 0 : i32
    %scatter3A_117 = tpu.memref_slice %arg5[%scatter3A_116] : memref<1024xi32, #tpu.memory_space<vmem>> -> memref<256xi32, #tpu.memory_space<vmem>>
    tpu.vector_store_idx %scatter3A_117[%get3A_115], %broadcast_in_dim3A_3 {add = true} : memref<256xi32, #tpu.memory_space<vmem>>[vector<16xi32>], vector<16xi32>,
    %get3A_118 = arith.constant 0 : i32
    %get3A_119 = arith.index_cast %get3A_118 : i32 to index
    %get3A_120 = arith.constant 8032 : index
    %get3A_121 = tpu.vector_load %arg4[%get3A_119, %get3A_120] {strides = array<i32>} : memref<4x8192xi32, #tpu.memory_space<vmem>>, vector<16xi32>,
    %scatter3A_122 = arith.constant 0 : i32
    %scatter3A_123 = tpu.memref_slice %arg5[%scatter3A_122] : memref<1024xi32, #tpu.memory_space<vmem>> -> memref<256xi32, #tpu.memory_space<vmem>>
    tpu.vector_store_idx %scatter3A_123[%get3A_121], %broadcast_in_dim3A_3 {add = true} : memref<256xi32, #tpu.memory_space<vmem>>[vector<16xi32>], vector<16xi32>,
    %get3A_124 = arith.constant 0 : i32
    %get3A_125 = arith.index_cast %get3A_124 : i32 to index
    %get3A_126 = arith.constant 8048 : index
    %get3A_127 = tpu.vector_load %arg4[%get3A_125, %get3A_126] {strides = array<i32>} : memref<4x8192xi32, #tpu.memory_space<vmem>>, vector<16xi32>,
    %scatter3A_128 = arith.constant 0 : i32
    %scatter3A_129 = tpu.memref_slice %arg5[%scatter3A_128] : memref<1024xi32, #tpu.memory_space<vmem>> -> memref<256xi32, #tpu.memory_space<vmem>>
    tpu.vector_store_idx %scatter3A_129[%get3A_127], %broadcast_in_dim3A_3 {add = true} : memref<256xi32, #tpu.memory_space<vmem>>[vector<16xi32>], vector<16xi32>,
    %get3A_130 = arith.constant 0 : i32
    %get3A_131 = arith.index_cast %get3A_130 : i32 to index
    %get3A_132 = arith.constant 8064 : index
    %get3A_133 = tpu.vector_load %arg4[%get3A_131, %get3A_132] {strides = array<i32>} : memref<4x8192xi32, #tpu.memory_space<vmem>>, vector<16xi32>,
    %scatter3A_134 = arith.constant 0 : i32
    %scatter3A_135 = tpu.memref_slice %arg5[%scatter3A_134] : memref<1024xi32, #tpu.memory_space<vmem>> -> memref<256xi32, #tpu.memory_space<vmem>>
    tpu.vector_store_idx %scatter3A_135[%get3A_133], %broadcast_in_dim3A_3 {add = true} : memref<256xi32, #tpu.memory_space<vmem>>[vector<16xi32>], vector<16xi32>,
    %get3A_136 = arith.constant 0 : i32
    %get3A_137 = arith.index_cast %get3A_136 : i32 to index
    %get3A_138 = arith.constant 8080 : index
    %get3A_139 = tpu.vector_load %arg4[%get3A_137, %get3A_138] {strides = array<i32>} : memref<4x8192xi32, #tpu.memory_space<vmem>>, vector<16xi32>,
    %scatter3A_140 = arith.constant 0 : i32
    %scatter3A_141 = tpu.memref_slice %arg5[%scatter3A_140] : memref<1024xi32, #tpu.memory_space<vmem>> -> memref<256xi32, #tpu.memory_space<vmem>>
    tpu.vector_store_idx %scatter3A_141[%get3A_139], %broadcast_in_dim3A_3 {add = true} : memref<256xi32, #tpu.memory_space<vmem>>[vector<16xi32>], vector<16xi32>,
    %get3A_142 = arith.constant 0 : i32
    %get3A_143 = arith.index_cast %get3A_142 : i32 to index
    %get3A_144 = arith.constant 8096 : index
    %get3A_145 = tpu.vector_load %arg4[%get3A_143, %get3A_144] {strides = array<i32>} : memref<4x8192xi32, #tpu.memory_space<vmem>>, vector<16xi32>,
    %scatter3A_146 = arith.constant 0 : i32
    %scatter3A_147 = tpu.memref_slice %arg5[%scatter3A_146] : memref<1024xi32, #tpu.memory_space<vmem>> -> memref<256xi32, #tpu.memory_space<vmem>>
    tpu.vector_store_idx %scatter3A_147[%get3A_145], %broadcast_in_dim3A_3 {add = true} : memref<256xi32, #tpu.memory_space<vmem>>[vector<16xi32>], vector<16xi32>,
    %get3A_148 = arith.constant 0 : i32
    %get3A_149 = arith.index_cast %get3A_148 : i32 to index
    %get3A_150 = arith.constant 8112 : index
    %get3A_151 = tpu.vector_load %arg4[%get3A_149, %get3A_150] {strides = array<i32>} : memref<4x8192xi32, #tpu.memory_space<vmem>>, vector<16xi32>,
    %scatter3A_152 = arith.constant 0 : i32
    %scatter3A_153 = tpu.memref_slice %arg5[%scatter3A_152] : memref<1024xi32, #tpu.memory_space<vmem>> -> memref<256xi32, #tpu.memory_space<vmem>>
    tpu.vector_store_idx %scatter3A_153[%get3A_151], %broadcast_in_dim3A_3 {add = true} : memref<256xi32, #tpu.memory_space<vmem>>[vector<16xi32>], vector<16xi32>,
    %get3A_154 = arith.constant 0 : i32
    %get3A_155 = arith.index_cast %get3A_154 : i32 to index
    %get3A_156 = arith.constant 8128 : index
    %get3A_157 = tpu.vector_load %arg4[%get3A_155, %get3A_156] {strides = array<i32>} : memref<4x8192xi32, #tpu.memory_space<vmem>>, vector<16xi32>,
    %scatter3A_158 = arith.constant 0 : i32
    %scatter3A_159 = tpu.memref_slice %arg5[%scatter3A_158] : memref<1024xi32, #tpu.memory_space<vmem>> -> memref<256xi32, #tpu.memory_space<vmem>>
    tpu.vector_store_idx %scatter3A_159[%get3A_157], %broadcast_in_dim3A_3 {add = true} : memref<256xi32, #tpu.memory_space<vmem>>[vector<16xi32>], vector<16xi32>,
    %get3A_160 = arith.constant 0 : i32
    %get3A_161 = arith.index_cast %get3A_160 : i32 to index
    %get3A_162 = arith.constant 8144 : index
    %get3A_163 = tpu.vector_load %arg4[%get3A_161, %get3A_162] {strides = array<i32>} : memref<4x8192xi32, #tpu.memory_space<vmem>>, vector<16xi32>,
    %scatter3A_164 = arith.constant 0 : i32
    %scatter3A_165 = tpu.memref_slice %arg5[%scatter3A_164] : memref<1024xi32, #tpu.memory_space<vmem>> -> memref<256xi32, #tpu.memory_space<vmem>>
    tpu.vector_store_idx %scatter3A_165[%get3A_163], %broadcast_in_dim3A_3 {add = true} : memref<256xi32, #tpu.memory_space<vmem>>[vector<16xi32>], vector<16xi32>,
    %get3A_166 = arith.constant 0 : i32
    %get3A_167 = arith.index_cast %get3A_166 : i32 to index
    %get3A_168 = arith.constant 8160 : index
    %get3A_169 = tpu.vector_load %arg4[%get3A_167, %get3A_168] {strides = array<i32>} : memref<4x8192xi32, #tpu.memory_space<vmem>>, vector<16xi32>,
    %scatter3A_170 = arith.constant 0 : i32
    %scatter3A_171 = tpu.memref_slice %arg5[%scatter3A_170] : memref<1024xi32, #tpu.memory_space<vmem>> -> memref<256xi32, #tpu.memory_space<vmem>>
    tpu.vector_store_idx %scatter3A_171[%get3A_169], %broadcast_in_dim3A_3 {add = true} : memref<256xi32, #tpu.memory_space<vmem>>[vector<16xi32>], vector<16xi32>,
    %get3A_172 = arith.constant 0 : i32
    %get3A_173 = arith.index_cast %get3A_172 : i32 to index
    %get3A_174 = arith.constant 8176 : index
    %get3A_175 = tpu.vector_load %arg4[%get3A_173, %get3A_174] {strides = array<i32>} : memref<4x8192xi32, #tpu.memory_space<vmem>>, vector<16xi32>,
    %scatter3A_176 = arith.constant 0 : i32
    %scatter3A_177 = tpu.memref_slice %arg5[%scatter3A_176] : memref<1024xi32, #tpu.memory_space<vmem>> -> memref<256xi32, #tpu.memory_space<vmem>>
    tpu.vector_store_idx %scatter3A_177[%get3A_175], %broadcast_in_dim3A_3 masked %lt3A_7 {add = true} : memref<256xi32, #tpu.memory_space<vmem>>[vector<16xi32>], vector<16xi32>, vector<16xi1>
    %dma_wait3A_178 = arith.constant 1 : i32
    %dma_wait3A_179 = arith.constant 0 : i32
    %dma_wait3A_180 = tpu.memref_slice %arg4[%dma_wait3A_178, %dma_wait3A_179] : memref<4x8192xi32, #tpu.memory_space<vmem>> -> memref<1x8192xi32, #tpu.memory_space<vmem>>
    %dma_wait3A_181 = tpu.memref_squeeze %dma_wait3A_180 : memref<1x8192xi32, #tpu.memory_space<vmem>> -> memref<8192xi32, #tpu.memory_space<vmem>>
    %dma_wait3A_182 = arith.constant 0 : i32
    %dma_wait3A_183 = tpu.memref_slice %arg2[%add3A_23, %dma_wait3A_182] : memref<128x8192xi32, #tpu.memory_space<hbm>> -> memref<1x8192xi32, #tpu.memory_space<hbm>>
    %dma_wait3A_184 = tpu.memref_squeeze %dma_wait3A_183 : memref<1x8192xi32, #tpu.memory_space<hbm>> -> memref<8192xi32, #tpu.memory_space<hbm>>
    %dma_wait3A_185 = arith.constant 0 : i32
    %dma_wait3A_186 = tpu.memref_slice %arg4[%dma_wait3A_178, %dma_wait3A_185] : memref<4x8192xi32, #tpu.memory_space<vmem>> -> memref<1x8192xi32, #tpu.memory_space<vmem>>
    %dma_wait3A_187 = tpu.memref_squeeze %dma_wait3A_186 : memref<1x8192xi32, #tpu.memory_space<vmem>> -> memref<8192xi32, #tpu.memory_space<vmem>>
    %dma_wait3A_188 = arith.constant 0 : i32
    %dma_wait3A_189 = tpu.memref_slice %arg2[%add3A_23, %dma_wait3A_188] : memref<128x8192xi32, #tpu.memory_space<hbm>> -> memref<1x8192xi32, #tpu.memory_space<hbm>>
    %dma_wait3A_190 = tpu.memref_squeeze %dma_wait3A_189 : memref<1x8192xi32, #tpu.memory_space<hbm>> -> memref<8192xi32, #tpu.memory_space<hbm>>
    tpu.wait_dma2 semaphore(%arg6 : memref<!tpu.dma_semaphore, #tpu.memory_space<semaphore_mem>>) src(%dma_wait3A_190 : memref<8192xi32, #tpu.memory_space<hbm>>) dst(%dma_wait3A_187 : memref<8192xi32, #tpu.memory_space<vmem>>)
    %parallel_loop3A_191 = arith.constant 0 : i32
    %parallel_loop3A_192 = arith.constant 496 : i32
    %parallel_loop3A_193 = arith.constant 1 : i32
    scf.for %parallel_loop3A_516 = %parallel_loop3A_191 to %parallel_loop3A_192 step %parallel_loop3A_193  : i32 {
      %parallel_loop3A_517 = arith.constant 16 : i32
      %parallel_loop3A_518 = arith.muli %parallel_loop3A_516, %parallel_loop3A_517 : i32
      %parallel_loop3A_519 = arith.constant 1 : i32
      %parallel_loop3A_520 = arith.index_cast %parallel_loop3A_519 : i32 to index
      %parallel_loop3A_521 = arith.index_cast %parallel_loop3A_518 : i32 to index
      %parallel_loop3A_522 = tpu.vector_load %arg4[%parallel_loop3A_520, %parallel_loop3A_521] {strides = array<i32>} : memref<4x8192xi32, #tpu.memory_space<vmem>>, vector<16xi32>,
      %parallel_loop3A_523 = arith.constant 256 : i32
      %parallel_loop3A_524 = tpu.memref_slice %arg5[%parallel_loop3A_523] : memref<1024xi32, #tpu.memory_space<vmem>> -> memref<256xi32, #tpu.memory_space<vmem>>
      tpu.vector_store_idx %parallel_loop3A_524[%parallel_loop3A_522], %broadcast_in_dim3A_3 {add = true} : memref<256xi32, #tpu.memory_space<vmem>>[vector<16xi32>], vector<16xi32>,
    } {sc.loop_unroll_factor = 16 : i64, sc.parallel_access}
    %get3A_194 = arith.constant 1 : i32
    %get3A_195 = arith.index_cast %get3A_194 : i32 to index
    %get3A_196 = arith.constant 7936 : index
    %get3A_197 = tpu.vector_load %arg4[%get3A_195, %get3A_196] {strides = array<i32>} : memref<4x8192xi32, #tpu.memory_space<vmem>>, vector<16xi32>,
    %scatter3A_198 = arith.constant 256 : i32
    %scatter3A_199 = tpu.memref_slice %arg5[%scatter3A_198] : memref<1024xi32, #tpu.memory_space<vmem>> -> memref<256xi32, #tpu.memory_space<vmem>>
    tpu.vector_store_idx %scatter3A_199[%get3A_197], %broadcast_in_dim3A_3 {add = true} : memref<256xi32, #tpu.memory_space<vmem>>[vector<16xi32>], vector<16xi32>,
    %get3A_200 = arith.constant 1 : i32
    %get3A_201 = arith.index_cast %get3A_200 : i32 to index
    %get3A_202 = arith.constant 7952 : index
    %get3A_203 = tpu.vector_load %arg4[%get3A_201, %get3A_202] {strides = array<i32>} : memref<4x8192xi32, #tpu.memory_space<vmem>>, vector<16xi32>,
    %scatter3A_204 = arith.constant 256 : i32
    %scatter3A_205 = tpu.memref_slice %arg5[%scatter3A_204] : memref<1024xi32, #tpu.memory_space<vmem>> -> memref<256xi32, #tpu.memory_space<vmem>>
    tpu.vector_store_idx %scatter3A_205[%get3A_203], %broadcast_in_dim3A_3 {add = true} : memref<256xi32, #tpu.memory_space<vmem>>[vector<16xi32>], vector<16xi32>,
    %get3A_206 = arith.constant 1 : i32
    %get3A_207 = arith.index_cast %get3A_206 : i32 to index
    %get3A_208 = arith.constant 7968 : index
    %get3A_209 = tpu.vector_load %arg4[%get3A_207, %get3A_208] {strides = array<i32>} : memref<4x8192xi32, #tpu.memory_space<vmem>>, vector<16xi32>,
    %scatter3A_210 = arith.constant 256 : i32
    %scatter3A_211 = tpu.memref_slice %arg5[%scatter3A_210] : memref<1024xi32, #tpu.memory_space<vmem>> -> memref<256xi32, #tpu.memory_space<vmem>>
    tpu.vector_store_idx %scatter3A_211[%get3A_209], %broadcast_in_dim3A_3 {add = true} : memref<256xi32, #tpu.memory_space<vmem>>[vector<16xi32>], vector<16xi32>,
    %get3A_212 = arith.constant 1 : i32
    %get3A_213 = arith.index_cast %get3A_212 : i32 to index
    %get3A_214 = arith.constant 7984 : index
    %get3A_215 = tpu.vector_load %arg4[%get3A_213, %get3A_214] {strides = array<i32>} : memref<4x8192xi32, #tpu.memory_space<vmem>>, vector<16xi32>,
    %scatter3A_216 = arith.constant 256 : i32
    %scatter3A_217 = tpu.memref_slice %arg5[%scatter3A_216] : memref<1024xi32, #tpu.memory_space<vmem>> -> memref<256xi32, #tpu.memory_space<vmem>>
    tpu.vector_store_idx %scatter3A_217[%get3A_215], %broadcast_in_dim3A_3 {add = true} : memref<256xi32, #tpu.memory_space<vmem>>[vector<16xi32>], vector<16xi32>,
    %get3A_218 = arith.constant 1 : i32
    %get3A_219 = arith.index_cast %get3A_218 : i32 to index
    %get3A_220 = arith.constant 8000 : index
    %get3A_221 = tpu.vector_load %arg4[%get3A_219, %get3A_220] {strides = array<i32>} : memref<4x8192xi32, #tpu.memory_space<vmem>>, vector<16xi32>,
    %scatter3A_222 = arith.constant 256 : i32
    %scatter3A_223 = tpu.memref_slice %arg5[%scatter3A_222] : memref<1024xi32, #tpu.memory_space<vmem>> -> memref<256xi32, #tpu.memory_space<vmem>>
    tpu.vector_store_idx %scatter3A_223[%get3A_221], %broadcast_in_dim3A_3 {add = true} : memref<256xi32, #tpu.memory_space<vmem>>[vector<16xi32>], vector<16xi32>,
    %get3A_224 = arith.constant 1 : i32
    %get3A_225 = arith.index_cast %get3A_224 : i32 to index
    %get3A_226 = arith.constant 8016 : index
    %get3A_227 = tpu.vector_load %arg4[%get3A_225, %get3A_226] {strides = array<i32>} : memref<4x8192xi32, #tpu.memory_space<vmem>>, vector<16xi32>,
    %scatter3A_228 = arith.constant 256 : i32
    %scatter3A_229 = tpu.memref_slice %arg5[%scatter3A_228] : memref<1024xi32, #tpu.memory_space<vmem>> -> memref<256xi32, #tpu.memory_space<vmem>>
    tpu.vector_store_idx %scatter3A_229[%get3A_227], %broadcast_in_dim3A_3 {add = true} : memref<256xi32, #tpu.memory_space<vmem>>[vector<16xi32>], vector<16xi32>,
    %get3A_230 = arith.constant 1 : i32
    %get3A_231 = arith.index_cast %get3A_230 : i32 to index
    %get3A_232 = arith.constant 8032 : index
    %get3A_233 = tpu.vector_load %arg4[%get3A_231, %get3A_232] {strides = array<i32>} : memref<4x8192xi32, #tpu.memory_space<vmem>>, vector<16xi32>,
    %scatter3A_234 = arith.constant 256 : i32
    %scatter3A_235 = tpu.memref_slice %arg5[%scatter3A_234] : memref<1024xi32, #tpu.memory_space<vmem>> -> memref<256xi32, #tpu.memory_space<vmem>>
    tpu.vector_store_idx %scatter3A_235[%get3A_233], %broadcast_in_dim3A_3 {add = true} : memref<256xi32, #tpu.memory_space<vmem>>[vector<16xi32>], vector<16xi32>,
    %get3A_236 = arith.constant 1 : i32
    %get3A_237 = arith.index_cast %get3A_236 : i32 to index
    %get3A_238 = arith.constant 8048 : index
    %get3A_239 = tpu.vector_load %arg4[%get3A_237, %get3A_238] {strides = array<i32>} : memref<4x8192xi32, #tpu.memory_space<vmem>>, vector<16xi32>,
    %scatter3A_240 = arith.constant 256 : i32
    %scatter3A_241 = tpu.memref_slice %arg5[%scatter3A_240] : memref<1024xi32, #tpu.memory_space<vmem>> -> memref<256xi32, #tpu.memory_space<vmem>>
    tpu.vector_store_idx %scatter3A_241[%get3A_239], %broadcast_in_dim3A_3 {add = true} : memref<256xi32, #tpu.memory_space<vmem>>[vector<16xi32>], vector<16xi32>,
    %get3A_242 = arith.constant 1 : i32
    %get3A_243 = arith.index_cast %get3A_242 : i32 to index
    %get3A_244 = arith.constant 8064 : index
    %get3A_245 = tpu.vector_load %arg4[%get3A_243, %get3A_244] {strides = array<i32>} : memref<4x8192xi32, #tpu.memory_space<vmem>>, vector<16xi32>,
    %scatter3A_246 = arith.constant 256 : i32
    %scatter3A_247 = tpu.memref_slice %arg5[%scatter3A_246] : memref<1024xi32, #tpu.memory_space<vmem>> -> memref<256xi32, #tpu.memory_space<vmem>>
    tpu.vector_store_idx %scatter3A_247[%get3A_245], %broadcast_in_dim3A_3 {add = true} : memref<256xi32, #tpu.memory_space<vmem>>[vector<16xi32>], vector<16xi32>,
    %get3A_248 = arith.constant 1 : i32
    %get3A_249 = arith.index_cast %get3A_248 : i32 to index
    %get3A_250 = arith.constant 8080 : index
    %get3A_251 = tpu.vector_load %arg4[%get3A_249, %get3A_250] {strides = array<i32>} : memref<4x8192xi32, #tpu.memory_space<vmem>>, vector<16xi32>,
    %scatter3A_252 = arith.constant 256 : i32
    %scatter3A_253 = tpu.memref_slice %arg5[%scatter3A_252] : memref<1024xi32, #tpu.memory_space<vmem>> -> memref<256xi32, #tpu.memory_space<vmem>>
    tpu.vector_store_idx %scatter3A_253[%get3A_251], %broadcast_in_dim3A_3 {add = true} : memref<256xi32, #tpu.memory_space<vmem>>[vector<16xi32>], vector<16xi32>,
    %get3A_254 = arith.constant 1 : i32
    %get3A_255 = arith.index_cast %get3A_254 : i32 to index
    %get3A_256 = arith.constant 8096 : index
    %get3A_257 = tpu.vector_load %arg4[%get3A_255, %get3A_256] {strides = array<i32>} : memref<4x8192xi32, #tpu.memory_space<vmem>>, vector<16xi32>,
    %scatter3A_258 = arith.constant 256 : i32
    %scatter3A_259 = tpu.memref_slice %arg5[%scatter3A_258] : memref<1024xi32, #tpu.memory_space<vmem>> -> memref<256xi32, #tpu.memory_space<vmem>>
    tpu.vector_store_idx %scatter3A_259[%get3A_257], %broadcast_in_dim3A_3 {add = true} : memref<256xi32, #tpu.memory_space<vmem>>[vector<16xi32>], vector<16xi32>,
    %get3A_260 = arith.constant 1 : i32
    %get3A_261 = arith.index_cast %get3A_260 : i32 to index
    %get3A_262 = arith.constant 8112 : index
    %get3A_263 = tpu.vector_load %arg4[%get3A_261, %get3A_262] {strides = array<i32>} : memref<4x8192xi32, #tpu.memory_space<vmem>>, vector<16xi32>,
    %scatter3A_264 = arith.constant 256 : i32
    %scatter3A_265 = tpu.memref_slice %arg5[%scatter3A_264] : memref<1024xi32, #tpu.memory_space<vmem>> -> memref<256xi32, #tpu.memory_space<vmem>>
    tpu.vector_store_idx %scatter3A_265[%get3A_263], %broadcast_in_dim3A_3 {add = true} : memref<256xi32, #tpu.memory_space<vmem>>[vector<16xi32>], vector<16xi32>,
    %get3A_266 = arith.constant 1 : i32
    %get3A_267 = arith.index_cast %get3A_266 : i32 to index
    %get3A_268 = arith.constant 8128 : index
    %get3A_269 = tpu.vector_load %arg4[%get3A_267, %get3A_268] {strides = array<i32>} : memref<4x8192xi32, #tpu.memory_space<vmem>>, vector<16xi32>,
    %scatter3A_270 = arith.constant 256 : i32
    %scatter3A_271 = tpu.memref_slice %arg5[%scatter3A_270] : memref<1024xi32, #tpu.memory_space<vmem>> -> memref<256xi32, #tpu.memory_space<vmem>>
    tpu.vector_store_idx %scatter3A_271[%get3A_269], %broadcast_in_dim3A_3 {add = true} : memref<256xi32, #tpu.memory_space<vmem>>[vector<16xi32>], vector<16xi32>,
    %get3A_272 = arith.constant 1 : i32
    %get3A_273 = arith.index_cast %get3A_272 : i32 to index
    %get3A_274 = arith.constant 8144 : index
    %get3A_275 = tpu.vector_load %arg4[%get3A_273, %get3A_274] {strides = array<i32>} : memref<4x8192xi32, #tpu.memory_space<vmem>>, vector<16xi32>,
    %scatter3A_276 = arith.constant 256 : i32
    %scatter3A_277 = tpu.memref_slice %arg5[%scatter3A_276] : memref<1024xi32, #tpu.memory_space<vmem>> -> memref<256xi32, #tpu.memory_space<vmem>>
    tpu.vector_store_idx %scatter3A_277[%get3A_275], %broadcast_in_dim3A_3 {add = true} : memref<256xi32, #tpu.memory_space<vmem>>[vector<16xi32>], vector<16xi32>,
    %get3A_278 = arith.constant 1 : i32
    %get3A_279 = arith.index_cast %get3A_278 : i32 to index
    %get3A_280 = arith.constant 8160 : index
    %get3A_281 = tpu.vector_load %arg4[%get3A_279, %get3A_280] {strides = array<i32>} : memref<4x8192xi32, #tpu.memory_space<vmem>>, vector<16xi32>,
    %scatter3A_282 = arith.constant 256 : i32
    %scatter3A_283 = tpu.memref_slice %arg5[%scatter3A_282] : memref<1024xi32, #tpu.memory_space<vmem>> -> memref<256xi32, #tpu.memory_space<vmem>>
    tpu.vector_store_idx %scatter3A_283[%get3A_281], %broadcast_in_dim3A_3 {add = true} : memref<256xi32, #tpu.memory_space<vmem>>[vector<16xi32>], vector<16xi32>,
    %get3A_284 = arith.constant 1 : i32
    %get3A_285 = arith.index_cast %get3A_284 : i32 to index
    %get3A_286 = arith.constant 8176 : index
    %get3A_287 = tpu.vector_load %arg4[%get3A_285, %get3A_286] {strides = array<i32>} : memref<4x8192xi32, #tpu.memory_space<vmem>>, vector<16xi32>,
    %scatter3A_288 = arith.constant 256 : i32
    %scatter3A_289 = tpu.memref_slice %arg5[%scatter3A_288] : memref<1024xi32, #tpu.memory_space<vmem>> -> memref<256xi32, #tpu.memory_space<vmem>>
    tpu.vector_store_idx %scatter3A_289[%get3A_287], %broadcast_in_dim3A_3 masked %lt3A_7 {add = true} : memref<256xi32, #tpu.memory_space<vmem>>[vector<16xi32>], vector<16xi32>, vector<16xi1>
    %dma_wait3A_290 = arith.constant 2 : i32
    %dma_wait3A_291 = arith.constant 0 : i32
    %dma_wait3A_292 = tpu.memref_slice %arg4[%dma_wait3A_290, %dma_wait3A_291] : memref<4x8192xi32, #tpu.memory_space<vmem>> -> memref<1x8192xi32, #tpu.memory_space<vmem>>
    %dma_wait3A_293 = tpu.memref_squeeze %dma_wait3A_292 : memref<1x8192xi32, #tpu.memory_space<vmem>> -> memref<8192xi32, #tpu.memory_space<vmem>>
    %dma_wait3A_294 = arith.constant 0 : i32
    %dma_wait3A_295 = tpu.memref_slice %arg2[%add3A_38, %dma_wait3A_294] : memref<128x8192xi32, #tpu.memory_space<hbm>> -> memref<1x8192xi32, #tpu.memory_space<hbm>>
    %dma_wait3A_296 = tpu.memref_squeeze %dma_wait3A_295 : memref<1x8192xi32, #tpu.memory_space<hbm>> -> memref<8192xi32, #tpu.memory_space<hbm>>
    %dma_wait3A_297 = arith.constant 0 : i32
    %dma_wait3A_298 = tpu.memref_slice %arg4[%dma_wait3A_290, %dma_wait3A_297] : memref<4x8192xi32, #tpu.memory_space<vmem>> -> memref<1x8192xi32, #tpu.memory_space<vmem>>
    %dma_wait3A_299 = tpu.memref_squeeze %dma_wait3A_298 : memref<1x8192xi32, #tpu.memory_space<vmem>> -> memref<8192xi32, #tpu.memory_space<vmem>>
    %dma_wait3A_300 = arith.constant 0 : i32
    %dma_wait3A_301 = tpu.memref_slice %arg2[%add3A_38, %dma_wait3A_300] : memref<128x8192xi32, #tpu.memory_space<hbm>> -> memref<1x8192xi32, #tpu.memory_space<hbm>>
    %dma_wait3A_302 = tpu.memref_squeeze %dma_wait3A_301 : memref<1x8192xi32, #tpu.memory_space<hbm>> -> memref<8192xi32, #tpu.memory_space<hbm>>
    tpu.wait_dma2 semaphore(%arg6 : memref<!tpu.dma_semaphore, #tpu.memory_space<semaphore_mem>>) src(%dma_wait3A_302 : memref<8192xi32, #tpu.memory_space<hbm>>) dst(%dma_wait3A_299 : memref<8192xi32, #tpu.memory_space<vmem>>)
    %parallel_loop3A_303 = arith.constant 0 : i32
    %parallel_loop3A_304 = arith.constant 496 : i32
    %parallel_loop3A_305 = arith.constant 1 : i32
    scf.for %parallel_loop3A_516 = %parallel_loop3A_303 to %parallel_loop3A_304 step %parallel_loop3A_305  : i32 {
      %parallel_loop3A_517 = arith.constant 16 : i32
      %parallel_loop3A_518 = arith.muli %parallel_loop3A_516, %parallel_loop3A_517 : i32
      %parallel_loop3A_519 = arith.constant 2 : i32
      %parallel_loop3A_520 = arith.index_cast %parallel_loop3A_519 : i32 to index
      %parallel_loop3A_521 = arith.index_cast %parallel_loop3A_518 : i32 to index
      %parallel_loop3A_522 = tpu.vector_load %arg4[%parallel_loop3A_520, %parallel_loop3A_521] {strides = array<i32>} : memref<4x8192xi32, #tpu.memory_space<vmem>>, vector<16xi32>,
      %parallel_loop3A_523 = arith.constant 512 : i32
      %parallel_loop3A_524 = tpu.memref_slice %arg5[%parallel_loop3A_523] : memref<1024xi32, #tpu.memory_space<vmem>> -> memref<256xi32, #tpu.memory_space<vmem>>
      tpu.vector_store_idx %parallel_loop3A_524[%parallel_loop3A_522], %broadcast_in_dim3A_3 {add = true} : memref<256xi32, #tpu.memory_space<vmem>>[vector<16xi32>], vector<16xi32>,
    } {sc.loop_unroll_factor = 16 : i64, sc.parallel_access}
    %get3A_306 = arith.constant 2 : i32
    %get3A_307 = arith.index_cast %get3A_306 : i32 to index
    %get3A_308 = arith.constant 7936 : index
    %get3A_309 = tpu.vector_load %arg4[%get3A_307, %get3A_308] {strides = array<i32>} : memref<4x8192xi32, #tpu.memory_space<vmem>>, vector<16xi32>,
    %scatter3A_310 = arith.constant 512 : i32
    %scatter3A_311 = tpu.memref_slice %arg5[%scatter3A_310] : memref<1024xi32, #tpu.memory_space<vmem>> -> memref<256xi32, #tpu.memory_space<vmem>>
    tpu.vector_store_idx %scatter3A_311[%get3A_309], %broadcast_in_dim3A_3 {add = true} : memref<256xi32, #tpu.memory_space<vmem>>[vector<16xi32>], vector<16xi32>,
    %get3A_312 = arith.constant 2 : i32
    %get3A_313 = arith.index_cast %get3A_312 : i32 to index
    %get3A_314 = arith.constant 7952 : index
    %get3A_315 = tpu.vector_load %arg4[%get3A_313, %get3A_314] {strides = array<i32>} : memref<4x8192xi32, #tpu.memory_space<vmem>>, vector<16xi32>,
    %scatter3A_316 = arith.constant 512 : i32
    %scatter3A_317 = tpu.memref_slice %arg5[%scatter3A_316] : memref<1024xi32, #tpu.memory_space<vmem>> -> memref<256xi32, #tpu.memory_space<vmem>>
    tpu.vector_store_idx %scatter3A_317[%get3A_315], %broadcast_in_dim3A_3 {add = true} : memref<256xi32, #tpu.memory_space<vmem>>[vector<16xi32>], vector<16xi32>,
    %get3A_318 = arith.constant 2 : i32
    %get3A_319 = arith.index_cast %get3A_318 : i32 to index
    %get3A_320 = arith.constant 7968 : index
    %get3A_321 = tpu.vector_load %arg4[%get3A_319, %get3A_320] {strides = array<i32>} : memref<4x8192xi32, #tpu.memory_space<vmem>>, vector<16xi32>,
    %scatter3A_322 = arith.constant 512 : i32
    %scatter3A_323 = tpu.memref_slice %arg5[%scatter3A_322] : memref<1024xi32, #tpu.memory_space<vmem>> -> memref<256xi32, #tpu.memory_space<vmem>>
    tpu.vector_store_idx %scatter3A_323[%get3A_321], %broadcast_in_dim3A_3 {add = true} : memref<256xi32, #tpu.memory_space<vmem>>[vector<16xi32>], vector<16xi32>,
    %get3A_324 = arith.constant 2 : i32
    %get3A_325 = arith.index_cast %get3A_324 : i32 to index
    %get3A_326 = arith.constant 7984 : index
    %get3A_327 = tpu.vector_load %arg4[%get3A_325, %get3A_326] {strides = array<i32>} : memref<4x8192xi32, #tpu.memory_space<vmem>>, vector<16xi32>,
    %scatter3A_328 = arith.constant 512 : i32
    %scatter3A_329 = tpu.memref_slice %arg5[%scatter3A_328] : memref<1024xi32, #tpu.memory_space<vmem>> -> memref<256xi32, #tpu.memory_space<vmem>>
    tpu.vector_store_idx %scatter3A_329[%get3A_327], %broadcast_in_dim3A_3 {add = true} : memref<256xi32, #tpu.memory_space<vmem>>[vector<16xi32>], vector<16xi32>,
    %get3A_330 = arith.constant 2 : i32
    %get3A_331 = arith.index_cast %get3A_330 : i32 to index
    %get3A_332 = arith.constant 8000 : index
    %get3A_333 = tpu.vector_load %arg4[%get3A_331, %get3A_332] {strides = array<i32>} : memref<4x8192xi32, #tpu.memory_space<vmem>>, vector<16xi32>,
    %scatter3A_334 = arith.constant 512 : i32
    %scatter3A_335 = tpu.memref_slice %arg5[%scatter3A_334] : memref<1024xi32, #tpu.memory_space<vmem>> -> memref<256xi32, #tpu.memory_space<vmem>>
    tpu.vector_store_idx %scatter3A_335[%get3A_333], %broadcast_in_dim3A_3 {add = true} : memref<256xi32, #tpu.memory_space<vmem>>[vector<16xi32>], vector<16xi32>,
    %get3A_336 = arith.constant 2 : i32
    %get3A_337 = arith.index_cast %get3A_336 : i32 to index
    %get3A_338 = arith.constant 8016 : index
    %get3A_339 = tpu.vector_load %arg4[%get3A_337, %get3A_338] {strides = array<i32>} : memref<4x8192xi32, #tpu.memory_space<vmem>>, vector<16xi32>,
    %scatter3A_340 = arith.constant 512 : i32
    %scatter3A_341 = tpu.memref_slice %arg5[%scatter3A_340] : memref<1024xi32, #tpu.memory_space<vmem>> -> memref<256xi32, #tpu.memory_space<vmem>>
    tpu.vector_store_idx %scatter3A_341[%get3A_339], %broadcast_in_dim3A_3 {add = true} : memref<256xi32, #tpu.memory_space<vmem>>[vector<16xi32>], vector<16xi32>,
    %get3A_342 = arith.constant 2 : i32
    %get3A_343 = arith.index_cast %get3A_342 : i32 to index
    %get3A_344 = arith.constant 8032 : index
    %get3A_345 = tpu.vector_load %arg4[%get3A_343, %get3A_344] {strides = array<i32>} : memref<4x8192xi32, #tpu.memory_space<vmem>>, vector<16xi32>,
    %scatter3A_346 = arith.constant 512 : i32
    %scatter3A_347 = tpu.memref_slice %arg5[%scatter3A_346] : memref<1024xi32, #tpu.memory_space<vmem>> -> memref<256xi32, #tpu.memory_space<vmem>>
    tpu.vector_store_idx %scatter3A_347[%get3A_345], %broadcast_in_dim3A_3 {add = true} : memref<256xi32, #tpu.memory_space<vmem>>[vector<16xi32>], vector<16xi32>,
    %get3A_348 = arith.constant 2 : i32
    %get3A_349 = arith.index_cast %get3A_348 : i32 to index
    %get3A_350 = arith.constant 8048 : index
    %get3A_351 = tpu.vector_load %arg4[%get3A_349, %get3A_350] {strides = array<i32>} : memref<4x8192xi32, #tpu.memory_space<vmem>>, vector<16xi32>,
    %scatter3A_352 = arith.constant 512 : i32
    %scatter3A_353 = tpu.memref_slice %arg5[%scatter3A_352] : memref<1024xi32, #tpu.memory_space<vmem>> -> memref<256xi32, #tpu.memory_space<vmem>>
    tpu.vector_store_idx %scatter3A_353[%get3A_351], %broadcast_in_dim3A_3 {add = true} : memref<256xi32, #tpu.memory_space<vmem>>[vector<16xi32>], vector<16xi32>,
    %get3A_354 = arith.constant 2 : i32
    %get3A_355 = arith.index_cast %get3A_354 : i32 to index
    %get3A_356 = arith.constant 8064 : index
    %get3A_357 = tpu.vector_load %arg4[%get3A_355, %get3A_356] {strides = array<i32>} : memref<4x8192xi32, #tpu.memory_space<vmem>>, vector<16xi32>,
    %scatter3A_358 = arith.constant 512 : i32
    %scatter3A_359 = tpu.memref_slice %arg5[%scatter3A_358] : memref<1024xi32, #tpu.memory_space<vmem>> -> memref<256xi32, #tpu.memory_space<vmem>>
    tpu.vector_store_idx %scatter3A_359[%get3A_357], %broadcast_in_dim3A_3 {add = true} : memref<256xi32, #tpu.memory_space<vmem>>[vector<16xi32>], vector<16xi32>,
    %get3A_360 = arith.constant 2 : i32
    %get3A_361 = arith.index_cast %get3A_360 : i32 to index
    %get3A_362 = arith.constant 8080 : index
    %get3A_363 = tpu.vector_load %arg4[%get3A_361, %get3A_362] {strides = array<i32>} : memref<4x8192xi32, #tpu.memory_space<vmem>>, vector<16xi32>,
    %scatter3A_364 = arith.constant 512 : i32
    %scatter3A_365 = tpu.memref_slice %arg5[%scatter3A_364] : memref<1024xi32, #tpu.memory_space<vmem>> -> memref<256xi32, #tpu.memory_space<vmem>>
    tpu.vector_store_idx %scatter3A_365[%get3A_363], %broadcast_in_dim3A_3 {add = true} : memref<256xi32, #tpu.memory_space<vmem>>[vector<16xi32>], vector<16xi32>,
    %get3A_366 = arith.constant 2 : i32
    %get3A_367 = arith.index_cast %get3A_366 : i32 to index
    %get3A_368 = arith.constant 8096 : index
    %get3A_369 = tpu.vector_load %arg4[%get3A_367, %get3A_368] {strides = array<i32>} : memref<4x8192xi32, #tpu.memory_space<vmem>>, vector<16xi32>,
    %scatter3A_370 = arith.constant 512 : i32
    %scatter3A_371 = tpu.memref_slice %arg5[%scatter3A_370] : memref<1024xi32, #tpu.memory_space<vmem>> -> memref<256xi32, #tpu.memory_space<vmem>>
    tpu.vector_store_idx %scatter3A_371[%get3A_369], %broadcast_in_dim3A_3 {add = true} : memref<256xi32, #tpu.memory_space<vmem>>[vector<16xi32>], vector<16xi32>,
    %get3A_372 = arith.constant 2 : i32
    %get3A_373 = arith.index_cast %get3A_372 : i32 to index
    %get3A_374 = arith.constant 8112 : index
    %get3A_375 = tpu.vector_load %arg4[%get3A_373, %get3A_374] {strides = array<i32>} : memref<4x8192xi32, #tpu.memory_space<vmem>>, vector<16xi32>,
    %scatter3A_376 = arith.constant 512 : i32
    %scatter3A_377 = tpu.memref_slice %arg5[%scatter3A_376] : memref<1024xi32, #tpu.memory_space<vmem>> -> memref<256xi32, #tpu.memory_space<vmem>>
    tpu.vector_store_idx %scatter3A_377[%get3A_375], %broadcast_in_dim3A_3 {add = true} : memref<256xi32, #tpu.memory_space<vmem>>[vector<16xi32>], vector<16xi32>,
    %get3A_378 = arith.constant 2 : i32
    %get3A_379 = arith.index_cast %get3A_378 : i32 to index
    %get3A_380 = arith.constant 8128 : index
    %get3A_381 = tpu.vector_load %arg4[%get3A_379, %get3A_380] {strides = array<i32>} : memref<4x8192xi32, #tpu.memory_space<vmem>>, vector<16xi32>,
    %scatter3A_382 = arith.constant 512 : i32
    %scatter3A_383 = tpu.memref_slice %arg5[%scatter3A_382] : memref<1024xi32, #tpu.memory_space<vmem>> -> memref<256xi32, #tpu.memory_space<vmem>>
    tpu.vector_store_idx %scatter3A_383[%get3A_381], %broadcast_in_dim3A_3 {add = true} : memref<256xi32, #tpu.memory_space<vmem>>[vector<16xi32>], vector<16xi32>,
    %get3A_384 = arith.constant 2 : i32
    %get3A_385 = arith.index_cast %get3A_384 : i32 to index
    %get3A_386 = arith.constant 8144 : index
    %get3A_387 = tpu.vector_load %arg4[%get3A_385, %get3A_386] {strides = array<i32>} : memref<4x8192xi32, #tpu.memory_space<vmem>>, vector<16xi32>,
    %scatter3A_388 = arith.constant 512 : i32
    %scatter3A_389 = tpu.memref_slice %arg5[%scatter3A_388] : memref<1024xi32, #tpu.memory_space<vmem>> -> memref<256xi32, #tpu.memory_space<vmem>>
    tpu.vector_store_idx %scatter3A_389[%get3A_387], %broadcast_in_dim3A_3 {add = true} : memref<256xi32, #tpu.memory_space<vmem>>[vector<16xi32>], vector<16xi32>,
    %get3A_390 = arith.constant 2 : i32
    %get3A_391 = arith.index_cast %get3A_390 : i32 to index
    %get3A_392 = arith.constant 8160 : index
    %get3A_393 = tpu.vector_load %arg4[%get3A_391, %get3A_392] {strides = array<i32>} : memref<4x8192xi32, #tpu.memory_space<vmem>>, vector<16xi32>,
    %scatter3A_394 = arith.constant 512 : i32
    %scatter3A_395 = tpu.memref_slice %arg5[%scatter3A_394] : memref<1024xi32, #tpu.memory_space<vmem>> -> memref<256xi32, #tpu.memory_space<vmem>>
    tpu.vector_store_idx %scatter3A_395[%get3A_393], %broadcast_in_dim3A_3 {add = true} : memref<256xi32, #tpu.memory_space<vmem>>[vector<16xi32>], vector<16xi32>,
    %get3A_396 = arith.constant 2 : i32
    %get3A_397 = arith.index_cast %get3A_396 : i32 to index
    %get3A_398 = arith.constant 8176 : index
    %get3A_399 = tpu.vector_load %arg4[%get3A_397, %get3A_398] {strides = array<i32>} : memref<4x8192xi32, #tpu.memory_space<vmem>>, vector<16xi32>,
    %scatter3A_400 = arith.constant 512 : i32
    %scatter3A_401 = tpu.memref_slice %arg5[%scatter3A_400] : memref<1024xi32, #tpu.memory_space<vmem>> -> memref<256xi32, #tpu.memory_space<vmem>>
    tpu.vector_store_idx %scatter3A_401[%get3A_399], %broadcast_in_dim3A_3 masked %lt3A_7 {add = true} : memref<256xi32, #tpu.memory_space<vmem>>[vector<16xi32>], vector<16xi32>, vector<16xi1>
    %dma_wait3A_402 = arith.constant 3 : i32
    %dma_wait3A_403 = arith.constant 0 : i32
    %dma_wait3A_404 = tpu.memref_slice %arg4[%dma_wait3A_402, %dma_wait3A_403] : memref<4x8192xi32, #tpu.memory_space<vmem>> -> memref<1x8192xi32, #tpu.memory_space<vmem>>
    %dma_wait3A_405 = tpu.memref_squeeze %dma_wait3A_404 : memref<1x8192xi32, #tpu.memory_space<vmem>> -> memref<8192xi32, #tpu.memory_space<vmem>>
    %dma_wait3A_406 = arith.constant 0 : i32
    %dma_wait3A_407 = tpu.memref_slice %arg2[%add3A_53, %dma_wait3A_406] : memref<128x8192xi32, #tpu.memory_space<hbm>> -> memref<1x8192xi32, #tpu.memory_space<hbm>>
    %dma_wait3A_408 = tpu.memref_squeeze %dma_wait3A_407 : memref<1x8192xi32, #tpu.memory_space<hbm>> -> memref<8192xi32, #tpu.memory_space<hbm>>
    %dma_wait3A_409 = arith.constant 0 : i32
    %dma_wait3A_410 = tpu.memref_slice %arg4[%dma_wait3A_402, %dma_wait3A_409] : memref<4x8192xi32, #tpu.memory_space<vmem>> -> memref<1x8192xi32, #tpu.memory_space<vmem>>
    %dma_wait3A_411 = tpu.memref_squeeze %dma_wait3A_410 : memref<1x8192xi32, #tpu.memory_space<vmem>> -> memref<8192xi32, #tpu.memory_space<vmem>>
    %dma_wait3A_412 = arith.constant 0 : i32
    %dma_wait3A_413 = tpu.memref_slice %arg2[%add3A_53, %dma_wait3A_412] : memref<128x8192xi32, #tpu.memory_space<hbm>> -> memref<1x8192xi32, #tpu.memory_space<hbm>>
    %dma_wait3A_414 = tpu.memref_squeeze %dma_wait3A_413 : memref<1x8192xi32, #tpu.memory_space<hbm>> -> memref<8192xi32, #tpu.memory_space<hbm>>
    tpu.wait_dma2 semaphore(%arg6 : memref<!tpu.dma_semaphore, #tpu.memory_space<semaphore_mem>>) src(%dma_wait3A_414 : memref<8192xi32, #tpu.memory_space<hbm>>) dst(%dma_wait3A_411 : memref<8192xi32, #tpu.memory_space<vmem>>)
    %parallel_loop3A_415 = arith.constant 0 : i32
    %parallel_loop3A_416 = arith.constant 496 : i32
    %parallel_loop3A_417 = arith.constant 1 : i32
    scf.for %parallel_loop3A_516 = %parallel_loop3A_415 to %parallel_loop3A_416 step %parallel_loop3A_417  : i32 {
      %parallel_loop3A_517 = arith.constant 16 : i32
      %parallel_loop3A_518 = arith.muli %parallel_loop3A_516, %parallel_loop3A_517 : i32
      %parallel_loop3A_519 = arith.constant 3 : i32
      %parallel_loop3A_520 = arith.index_cast %parallel_loop3A_519 : i32 to index
      %parallel_loop3A_521 = arith.index_cast %parallel_loop3A_518 : i32 to index
      %parallel_loop3A_522 = tpu.vector_load %arg4[%parallel_loop3A_520, %parallel_loop3A_521] {strides = array<i32>} : memref<4x8192xi32, #tpu.memory_space<vmem>>, vector<16xi32>,
      %parallel_loop3A_523 = arith.constant 768 : i32
      %parallel_loop3A_524 = tpu.memref_slice %arg5[%parallel_loop3A_523] : memref<1024xi32, #tpu.memory_space<vmem>> -> memref<256xi32, #tpu.memory_space<vmem>>
      tpu.vector_store_idx %parallel_loop3A_524[%parallel_loop3A_522], %broadcast_in_dim3A_3 {add = true} : memref<256xi32, #tpu.memory_space<vmem>>[vector<16xi32>], vector<16xi32>,
    } {sc.loop_unroll_factor = 16 : i64, sc.parallel_access}
    %get3A_418 = arith.constant 3 : i32
    %get3A_419 = arith.index_cast %get3A_418 : i32 to index
    %get3A_420 = arith.constant 7936 : index
    %get3A_421 = tpu.vector_load %arg4[%get3A_419, %get3A_420] {strides = array<i32>} : memref<4x8192xi32, #tpu.memory_space<vmem>>, vector<16xi32>,
    %scatter3A_422 = arith.constant 768 : i32
    %scatter3A_423 = tpu.memref_slice %arg5[%scatter3A_422] : memref<1024xi32, #tpu.memory_space<vmem>> -> memref<256xi32, #tpu.memory_space<vmem>>
    tpu.vector_store_idx %scatter3A_423[%get3A_421], %broadcast_in_dim3A_3 {add = true} : memref<256xi32, #tpu.memory_space<vmem>>[vector<16xi32>], vector<16xi32>,
    %get3A_424 = arith.constant 3 : i32
    %get3A_425 = arith.index_cast %get3A_424 : i32 to index
    %get3A_426 = arith.constant 7952 : index
    %get3A_427 = tpu.vector_load %arg4[%get3A_425, %get3A_426] {strides = array<i32>} : memref<4x8192xi32, #tpu.memory_space<vmem>>, vector<16xi32>,
    %scatter3A_428 = arith.constant 768 : i32
    %scatter3A_429 = tpu.memref_slice %arg5[%scatter3A_428] : memref<1024xi32, #tpu.memory_space<vmem>> -> memref<256xi32, #tpu.memory_space<vmem>>
    tpu.vector_store_idx %scatter3A_429[%get3A_427], %broadcast_in_dim3A_3 {add = true} : memref<256xi32, #tpu.memory_space<vmem>>[vector<16xi32>], vector<16xi32>,
    %get3A_430 = arith.constant 3 : i32
    %get3A_431 = arith.index_cast %get3A_430 : i32 to index
    %get3A_432 = arith.constant 7968 : index
    %get3A_433 = tpu.vector_load %arg4[%get3A_431, %get3A_432] {strides = array<i32>} : memref<4x8192xi32, #tpu.memory_space<vmem>>, vector<16xi32>,
    %scatter3A_434 = arith.constant 768 : i32
    %scatter3A_435 = tpu.memref_slice %arg5[%scatter3A_434] : memref<1024xi32, #tpu.memory_space<vmem>> -> memref<256xi32, #tpu.memory_space<vmem>>
    tpu.vector_store_idx %scatter3A_435[%get3A_433], %broadcast_in_dim3A_3 {add = true} : memref<256xi32, #tpu.memory_space<vmem>>[vector<16xi32>], vector<16xi32>,
    %get3A_436 = arith.constant 3 : i32
    %get3A_437 = arith.index_cast %get3A_436 : i32 to index
    %get3A_438 = arith.constant 7984 : index
    %get3A_439 = tpu.vector_load %arg4[%get3A_437, %get3A_438] {strides = array<i32>} : memref<4x8192xi32, #tpu.memory_space<vmem>>, vector<16xi32>,
    %scatter3A_440 = arith.constant 768 : i32
    %scatter3A_441 = tpu.memref_slice %arg5[%scatter3A_440] : memref<1024xi32, #tpu.memory_space<vmem>> -> memref<256xi32, #tpu.memory_space<vmem>>
    tpu.vector_store_idx %scatter3A_441[%get3A_439], %broadcast_in_dim3A_3 {add = true} : memref<256xi32, #tpu.memory_space<vmem>>[vector<16xi32>], vector<16xi32>,
    %get3A_442 = arith.constant 3 : i32
    %get3A_443 = arith.index_cast %get3A_442 : i32 to index
    %get3A_444 = arith.constant 8000 : index
    %get3A_445 = tpu.vector_load %arg4[%get3A_443, %get3A_444] {strides = array<i32>} : memref<4x8192xi32, #tpu.memory_space<vmem>>, vector<16xi32>,
    %scatter3A_446 = arith.constant 768 : i32
    %scatter3A_447 = tpu.memref_slice %arg5[%scatter3A_446] : memref<1024xi32, #tpu.memory_space<vmem>> -> memref<256xi32, #tpu.memory_space<vmem>>
    tpu.vector_store_idx %scatter3A_447[%get3A_445], %broadcast_in_dim3A_3 {add = true} : memref<256xi32, #tpu.memory_space<vmem>>[vector<16xi32>], vector<16xi32>,
    %get3A_448 = arith.constant 3 : i32
    %get3A_449 = arith.index_cast %get3A_448 : i32 to index
    %get3A_450 = arith.constant 8016 : index
    %get3A_451 = tpu.vector_load %arg4[%get3A_449, %get3A_450] {strides = array<i32>} : memref<4x8192xi32, #tpu.memory_space<vmem>>, vector<16xi32>,
    %scatter3A_452 = arith.constant 768 : i32
    %scatter3A_453 = tpu.memref_slice %arg5[%scatter3A_452] : memref<1024xi32, #tpu.memory_space<vmem>> -> memref<256xi32, #tpu.memory_space<vmem>>
    tpu.vector_store_idx %scatter3A_453[%get3A_451], %broadcast_in_dim3A_3 {add = true} : memref<256xi32, #tpu.memory_space<vmem>>[vector<16xi32>], vector<16xi32>,
    %get3A_454 = arith.constant 3 : i32
    %get3A_455 = arith.index_cast %get3A_454 : i32 to index
    %get3A_456 = arith.constant 8032 : index
    %get3A_457 = tpu.vector_load %arg4[%get3A_455, %get3A_456] {strides = array<i32>} : memref<4x8192xi32, #tpu.memory_space<vmem>>, vector<16xi32>,
    %scatter3A_458 = arith.constant 768 : i32
    %scatter3A_459 = tpu.memref_slice %arg5[%scatter3A_458] : memref<1024xi32, #tpu.memory_space<vmem>> -> memref<256xi32, #tpu.memory_space<vmem>>
    tpu.vector_store_idx %scatter3A_459[%get3A_457], %broadcast_in_dim3A_3 {add = true} : memref<256xi32, #tpu.memory_space<vmem>>[vector<16xi32>], vector<16xi32>,
    %get3A_460 = arith.constant 3 : i32
    %get3A_461 = arith.index_cast %get3A_460 : i32 to index
    %get3A_462 = arith.constant 8048 : index
    %get3A_463 = tpu.vector_load %arg4[%get3A_461, %get3A_462] {strides = array<i32>} : memref<4x8192xi32, #tpu.memory_space<vmem>>, vector<16xi32>,
    %scatter3A_464 = arith.constant 768 : i32
    %scatter3A_465 = tpu.memref_slice %arg5[%scatter3A_464] : memref<1024xi32, #tpu.memory_space<vmem>> -> memref<256xi32, #tpu.memory_space<vmem>>
    tpu.vector_store_idx %scatter3A_465[%get3A_463], %broadcast_in_dim3A_3 {add = true} : memref<256xi32, #tpu.memory_space<vmem>>[vector<16xi32>], vector<16xi32>,
    %get3A_466 = arith.constant 3 : i32
    %get3A_467 = arith.index_cast %get3A_466 : i32 to index
    %get3A_468 = arith.constant 8064 : index
    %get3A_469 = tpu.vector_load %arg4[%get3A_467, %get3A_468] {strides = array<i32>} : memref<4x8192xi32, #tpu.memory_space<vmem>>, vector<16xi32>,
    %scatter3A_470 = arith.constant 768 : i32
    %scatter3A_471 = tpu.memref_slice %arg5[%scatter3A_470] : memref<1024xi32, #tpu.memory_space<vmem>> -> memref<256xi32, #tpu.memory_space<vmem>>
    tpu.vector_store_idx %scatter3A_471[%get3A_469], %broadcast_in_dim3A_3 {add = true} : memref<256xi32, #tpu.memory_space<vmem>>[vector<16xi32>], vector<16xi32>,
    %get3A_472 = arith.constant 3 : i32
    %get3A_473 = arith.index_cast %get3A_472 : i32 to index
    %get3A_474 = arith.constant 8080 : index
    %get3A_475 = tpu.vector_load %arg4[%get3A_473, %get3A_474] {strides = array<i32>} : memref<4x8192xi32, #tpu.memory_space<vmem>>, vector<16xi32>,
    %scatter3A_476 = arith.constant 768 : i32
    %scatter3A_477 = tpu.memref_slice %arg5[%scatter3A_476] : memref<1024xi32, #tpu.memory_space<vmem>> -> memref<256xi32, #tpu.memory_space<vmem>>
    tpu.vector_store_idx %scatter3A_477[%get3A_475], %broadcast_in_dim3A_3 {add = true} : memref<256xi32, #tpu.memory_space<vmem>>[vector<16xi32>], vector<16xi32>,
    %get3A_478 = arith.constant 3 : i32
    %get3A_479 = arith.index_cast %get3A_478 : i32 to index
    %get3A_480 = arith.constant 8096 : index
    %get3A_481 = tpu.vector_load %arg4[%get3A_479, %get3A_480] {strides = array<i32>} : memref<4x8192xi32, #tpu.memory_space<vmem>>, vector<16xi32>,
    %scatter3A_482 = arith.constant 768 : i32
    %scatter3A_483 = tpu.memref_slice %arg5[%scatter3A_482] : memref<1024xi32, #tpu.memory_space<vmem>> -> memref<256xi32, #tpu.memory_space<vmem>>
    tpu.vector_store_idx %scatter3A_483[%get3A_481], %broadcast_in_dim3A_3 {add = true} : memref<256xi32, #tpu.memory_space<vmem>>[vector<16xi32>], vector<16xi32>,
    %get3A_484 = arith.constant 3 : i32
    %get3A_485 = arith.index_cast %get3A_484 : i32 to index
    %get3A_486 = arith.constant 8112 : index
    %get3A_487 = tpu.vector_load %arg4[%get3A_485, %get3A_486] {strides = array<i32>} : memref<4x8192xi32, #tpu.memory_space<vmem>>, vector<16xi32>,
    %scatter3A_488 = arith.constant 768 : i32
    %scatter3A_489 = tpu.memref_slice %arg5[%scatter3A_488] : memref<1024xi32, #tpu.memory_space<vmem>> -> memref<256xi32, #tpu.memory_space<vmem>>
    tpu.vector_store_idx %scatter3A_489[%get3A_487], %broadcast_in_dim3A_3 {add = true} : memref<256xi32, #tpu.memory_space<vmem>>[vector<16xi32>], vector<16xi32>,
    %get3A_490 = arith.constant 3 : i32
    %get3A_491 = arith.index_cast %get3A_490 : i32 to index
    %get3A_492 = arith.constant 8128 : index
    %get3A_493 = tpu.vector_load %arg4[%get3A_491, %get3A_492] {strides = array<i32>} : memref<4x8192xi32, #tpu.memory_space<vmem>>, vector<16xi32>,
    %scatter3A_494 = arith.constant 768 : i32
    %scatter3A_495 = tpu.memref_slice %arg5[%scatter3A_494] : memref<1024xi32, #tpu.memory_space<vmem>> -> memref<256xi32, #tpu.memory_space<vmem>>
    tpu.vector_store_idx %scatter3A_495[%get3A_493], %broadcast_in_dim3A_3 {add = true} : memref<256xi32, #tpu.memory_space<vmem>>[vector<16xi32>], vector<16xi32>,
    %get3A_496 = arith.constant 3 : i32
    %get3A_497 = arith.index_cast %get3A_496 : i32 to index
    %get3A_498 = arith.constant 8144 : index
    %get3A_499 = tpu.vector_load %arg4[%get3A_497, %get3A_498] {strides = array<i32>} : memref<4x8192xi32, #tpu.memory_space<vmem>>, vector<16xi32>,
    %scatter3A_500 = arith.constant 768 : i32
    %scatter3A_501 = tpu.memref_slice %arg5[%scatter3A_500] : memref<1024xi32, #tpu.memory_space<vmem>> -> memref<256xi32, #tpu.memory_space<vmem>>
    tpu.vector_store_idx %scatter3A_501[%get3A_499], %broadcast_in_dim3A_3 {add = true} : memref<256xi32, #tpu.memory_space<vmem>>[vector<16xi32>], vector<16xi32>,
    %get3A_502 = arith.constant 3 : i32
    %get3A_503 = arith.index_cast %get3A_502 : i32 to index
    %get3A_504 = arith.constant 8160 : index
    %get3A_505 = tpu.vector_load %arg4[%get3A_503, %get3A_504] {strides = array<i32>} : memref<4x8192xi32, #tpu.memory_space<vmem>>, vector<16xi32>,
    %scatter3A_506 = arith.constant 768 : i32
    %scatter3A_507 = tpu.memref_slice %arg5[%scatter3A_506] : memref<1024xi32, #tpu.memory_space<vmem>> -> memref<256xi32, #tpu.memory_space<vmem>>
    tpu.vector_store_idx %scatter3A_507[%get3A_505], %broadcast_in_dim3A_3 {add = true} : memref<256xi32, #tpu.memory_space<vmem>>[vector<16xi32>], vector<16xi32>,
    %get3A_508 = arith.constant 3 : i32
    %get3A_509 = arith.index_cast %get3A_508 : i32 to index
    %get3A_510 = arith.constant 8176 : index
    %get3A_511 = tpu.vector_load %arg4[%get3A_509, %get3A_510] {strides = array<i32>} : memref<4x8192xi32, #tpu.memory_space<vmem>>, vector<16xi32>,
    %scatter3A_512 = arith.constant 768 : i32
    %scatter3A_513 = tpu.memref_slice %arg5[%scatter3A_512] : memref<1024xi32, #tpu.memory_space<vmem>> -> memref<256xi32, #tpu.memory_space<vmem>>
    tpu.vector_store_idx %scatter3A_513[%get3A_511], %broadcast_in_dim3A_3 masked %lt3A_7 {add = true} : memref<256xi32, #tpu.memory_space<vmem>>[vector<16xi32>], vector<16xi32>, vector<16xi1>
    %mul3A_514 = arith.constant 256 : i32
    %mul3A_515 = arith.muli %mul3A_2, %mul3A_514 : i32
    "tpu.region"() ({
      %run_scoped3A = tpu.sem_alloc : memref<!tpu.dma_semaphore, #tpu.memory_space<semaphore_mem>>
      %dma_start3A_516 = tpu.memref_slice %arg3[%mul3A_515] : memref<32768xi32, #tpu.memory_space<hbm>> -> memref<1024xi32, #tpu.memory_space<hbm>>
      %dma_start3A_517 = tpu.memref_slice %arg3[%mul3A_515] : memref<32768xi32, #tpu.memory_space<hbm>> -> memref<1024xi32, #tpu.memory_space<hbm>>
      tpu.enqueue_dma source(%arg5 : memref<1024xi32, #tpu.memory_space<vmem>>) target(%dma_start3A_517 : memref<1024xi32, #tpu.memory_space<hbm>>) target_semaphore(%run_scoped3A : memref<!tpu.dma_semaphore, #tpu.memory_space<semaphore_mem>>)
      %dma_wait3A_518 = tpu.memref_slice %arg3[%mul3A_515] : memref<32768xi32, #tpu.memory_space<hbm>> -> memref<1024xi32, #tpu.memory_space<hbm>>
      %dma_wait3A_519 = tpu.memref_slice %arg3[%mul3A_515] : memref<32768xi32, #tpu.memory_space<hbm>> -> memref<1024xi32, #tpu.memory_space<hbm>>
      tpu.wait_dma2 semaphore(%run_scoped3A : memref<!tpu.dma_semaphore, #tpu.memory_space<semaphore_mem>>) src(%arg5 : memref<1024xi32, #tpu.memory_space<vmem>>) dst(%dma_wait3A_519 : memref<1024xi32, #tpu.memory_space<hbm>>)
      tpu.yield
    }) : () -> ()
    return
  }
}

module attributes {stable_mosaic.version = 14 : i64} {
  func.func @_tc_final_body(%arg0: memref<128x256xi32, #tpu.memory_space<vmem>>, %arg1: memref<256x64xf32, #tpu.memory_space<vmem>>, %arg2: memref<256x256xf32, #tpu.memory_space<vmem>>, %arg3: memref<128x256xf32, #tpu.memory_space<vmem>>, %arg4: memref<64x256xf32, #tpu.memory_space<vmem>>, %arg5: memref<1x256xf32, #tpu.memory_space<vmem>>, %arg6: memref<128x256xf32, #tpu.memory_space<vmem>>) attributes {dimension_semantics = [], scalar_prefetch = 0 : i64, scratch_operands = 0 : i64, tpu.core_type = #tpu.core_type<tc>} {
    %get3A = arith.constant 0 : index
    %get3A_0 = arith.constant 0 : index
    %get3A_1 = vector.load %arg0[%get3A, %get3A_0] : memref<128x256xi32, #tpu.memory_space<vmem>>, vector<128x256xi32>
    %convert_element_type3A = arith.sitofp %get3A_1 : vector<128x256xi32> to vector<128x256xf32>
    %get3A_2 = arith.constant 0 : index
    %get3A_3 = arith.constant 0 : index
    %get3A_4 = vector.load %arg2[%get3A_2, %get3A_3] : memref<256x256xf32, #tpu.memory_space<vmem>>, vector<256x256xf32>
    %dot_general3A = arith.constant dense<0.000000e+00> : vector<128x256xf32>
    %dot_general3A_5 = tpu.matmul %convert_element_type3A, %get3A_4, %dot_general3A {dimension_numbers = #tpu.dot_dimension_numbers<[1], [0], [0], [1], [0, 0, 1, 1], [], []>, precision = #tpu.contract_precision<fp32>, transpose_lhs_hint = false} : vector<128x256xf32>, vector<256x256xf32>, vector<128x256xf32> -> vector<128x256xf32>
    %sub3A = arith.constant 1.280000e+02 : f32
    %sub3A_6 = vector.broadcast %sub3A : f32 to vector<128x256xf32>
    %sub3A_7 = arith.subf %sub3A_6, %dot_general3A_5 : vector<128x256xf32>
    %jit3A = arith.constant 0.000000e+00 : f32
    %max3A = vector.broadcast %jit3A : f32 to vector<128x256xf32>
    %max3A_8 = arith.maximumf %max3A, %sub3A_7 : vector<128x256xf32>
    %min3A = arith.minimumf %convert_element_type3A, %max3A_8 : vector<128x256xf32>
    %get3A_9 = arith.constant 0 : index
    %get3A_10 = arith.constant 0 : index
    %get3A_11 = vector.load %arg3[%get3A_9, %get3A_10] : memref<128x256xf32, #tpu.memory_space<vmem>>, vector<128x256xf32>
    %mul3A = arith.mulf %min3A, %get3A_11 : vector<128x256xf32>
    %reduce_sum3A = arith.constant dense<0.000000e+00> : vector<128xf32>
    %reduce_sum3A_12 = vector.multi_reduction <add>, %mul3A, %reduce_sum3A [1] : vector<128x256xf32> to vector<128xf32>
    %broadcast_in_dim3A = vector.shape_cast %reduce_sum3A_12 : vector<128xf32> to vector<128x1xf32>
    %get3A_13 = arith.constant 0 : index
    %get3A_14 = arith.constant 0 : index
    %get3A_15 = vector.load %arg1[%get3A_13, %get3A_14] : memref<256x64xf32, #tpu.memory_space<vmem>>, vector<256x64xf32>
    %dot_general3A_16 = arith.constant dense<0.000000e+00> : vector<128x64xf32>
    %dot_general3A_17 = tpu.matmul %mul3A, %get3A_15, %dot_general3A_16 {dimension_numbers = #tpu.dot_dimension_numbers<[1], [0], [0], [1], [0, 0, 1, 1], [], []>, precision = #tpu.contract_precision<fp32>, transpose_lhs_hint = false} : vector<128x256xf32>, vector<256x64xf32>, vector<128x64xf32> -> vector<128x64xf32>
    %div3A = vector.broadcast %broadcast_in_dim3A : vector<128x1xf32> to vector<128x64xf32>
    %div3A_18 = arith.divf %dot_general3A_17, %div3A : vector<128x64xf32>
    %get3A_19 = arith.constant 0 : index
    %get3A_20 = arith.constant 0 : index
    %get3A_21 = vector.load %arg4[%get3A_19, %get3A_20] : memref<64x256xf32, #tpu.memory_space<vmem>>, vector<64x256xf32>
    %dot_general3A_22 = arith.constant dense<0.000000e+00> : vector<128x256xf32>
    %dot_general3A_23 = tpu.matmul %div3A_18, %get3A_21, %dot_general3A_22 {dimension_numbers = #tpu.dot_dimension_numbers<[1], [0], [0], [1], [0, 0, 1, 1], [], []>, precision = #tpu.contract_precision<fp32>, transpose_lhs_hint = false} : vector<128x64xf32>, vector<64x256xf32>, vector<128x256xf32> -> vector<128x256xf32>
    %get3A_24 = arith.constant 0 : index
    %get3A_25 = arith.constant 0 : index
    %get3A_26 = vector.load %arg5[%get3A_24, %get3A_25] : memref<1x256xf32, #tpu.memory_space<vmem>>, vector<1x256xf32>
    %add3A = vector.broadcast %get3A_26 : vector<1x256xf32> to vector<128x256xf32>
    %add3A_27 = arith.addf %dot_general3A_23, %add3A : vector<128x256xf32>
    %swap3A = arith.constant 0 : index
    %swap3A_28 = arith.constant 0 : index
    %swap3A_29 = vector.load %arg6[%swap3A, %swap3A_28] : memref<128x256xf32, #tpu.memory_space<vmem>>, vector<128x256xf32>
    tpu.vector_store %arg6[%swap3A, %swap3A_28], %add3A_27 {strides = array<i32>} : memref<128x256xf32, #tpu.memory_space<vmem>>, vector<128x256xf32>,
    return
  }
}

module attributes {stable_mosaic.version = 14 : i64} {
  func.func @_tc_prep_body(%arg0: memref<128x1xi32, #tpu.memory_space<vmem>>, %arg1: memref<256x64xf32, #tpu.memory_space<vmem>>, %arg2: memref<64x128xf32, #tpu.memory_space<vmem>>, %arg3: memref<1x128xf32, #tpu.memory_space<vmem>>, %arg4: memref<128x64xf32, #tpu.memory_space<vmem>>, %arg5: memref<1x64xf32, #tpu.memory_space<vmem>>, %arg6: memref<1x64xf32, #tpu.memory_space<vmem>>, %arg7: memref<1x64xf32, #tpu.memory_space<vmem>>, %arg8: memref<64x64xf32, #tpu.memory_space<vmem>>, %arg9: memref<1x64xf32, #tpu.memory_space<vmem>>, %arg10: memref<256x64xf32, #tpu.memory_space<vmem>>, %arg11: memref<256x256xf32, #tpu.memory_space<vmem>>, %arg12: memref<128x256xf32, #tpu.memory_space<vmem>>) attributes {dimension_semantics = [], scalar_prefetch = 0 : i64, scratch_operands = 0 : i64, tpu.core_type = #tpu.core_type<tc>} {
    %get3A = arith.constant 0 : index
    %get3A_0 = arith.constant 0 : index
    %get3A_1 = vector.load %arg1[%get3A, %get3A_0] : memref<256x64xf32, #tpu.memory_space<vmem>>, vector<256x64xf32>
    %get3A_2 = arith.constant 0 : index
    %get3A_3 = arith.constant 0 : index
    %get3A_4 = vector.load %arg2[%get3A_2, %get3A_3] : memref<64x128xf32, #tpu.memory_space<vmem>>, vector<64x128xf32>
    %dot_general3A = arith.constant dense<0.000000e+00> : vector<256x128xf32>
    %dot_general3A_5 = tpu.matmul %get3A_1, %get3A_4, %dot_general3A {dimension_numbers = #tpu.dot_dimension_numbers<[1], [0], [0], [1], [0, 0, 1, 1], [], []>, precision = #tpu.contract_precision<fp32>, transpose_lhs_hint = false} : vector<256x64xf32>, vector<64x128xf32>, vector<256x128xf32> -> vector<256x128xf32>
    %get3A_6 = arith.constant 0 : index
    %get3A_7 = arith.constant 0 : index
    %get3A_8 = vector.load %arg3[%get3A_6, %get3A_7] : memref<1x128xf32, #tpu.memory_space<vmem>>, vector<1x128xf32>
    %add3A = vector.broadcast %get3A_8 : vector<1x128xf32> to vector<256x128xf32>
    %add3A_9 = arith.addf %dot_general3A_5, %add3A : vector<256x128xf32>
    %max3A = arith.constant 0.000000e+00 : f32
    %max3A_10 = vector.broadcast %max3A : f32 to vector<256x128xf32>
    %max3A_11 = arith.maximumf %add3A_9, %max3A_10 : vector<256x128xf32>
    %get3A_12 = arith.constant 0 : index
    %get3A_13 = arith.constant 0 : index
    %get3A_14 = vector.load %arg4[%get3A_12, %get3A_13] : memref<128x64xf32, #tpu.memory_space<vmem>>, vector<128x64xf32>
    %dot_general3A_15 = arith.constant dense<0.000000e+00> : vector<256x64xf32>
    %dot_general3A_16 = tpu.matmul %max3A_11, %get3A_14, %dot_general3A_15 {dimension_numbers = #tpu.dot_dimension_numbers<[1], [0], [0], [1], [0, 0, 1, 1], [], []>, precision = #tpu.contract_precision<fp32>, transpose_lhs_hint = false} : vector<256x128xf32>, vector<128x64xf32>, vector<256x64xf32> -> vector<256x64xf32>
    %get3A_17 = arith.constant 0 : index
    %get3A_18 = arith.constant 0 : index
    %get3A_19 = vector.load %arg5[%get3A_17, %get3A_18] : memref<1x64xf32, #tpu.memory_space<vmem>>, vector<1x64xf32>
    %add3A_20 = vector.broadcast %get3A_19 : vector<1x64xf32> to vector<256x64xf32>
    %add3A_21 = arith.addf %dot_general3A_16, %add3A_20 : vector<256x64xf32>
    %add3A_22 = arith.addf %get3A_1, %add3A_21 : vector<256x64xf32>
    %reduce_sum3A = arith.constant dense<0.000000e+00> : vector<256xf32>
    %reduce_sum3A_23 = vector.multi_reduction <add>, %add3A_22, %reduce_sum3A [1] : vector<256x64xf32> to vector<256xf32>
    %broadcast_in_dim3A = vector.shape_cast %reduce_sum3A_23 : vector<256xf32> to vector<256x1xf32>
    %div3A = arith.constant 6.400000e+01 : f32
    %div3A_24 = vector.broadcast %div3A : f32 to vector<256x1xf32>
    %div3A_25 = arith.divf %broadcast_in_dim3A, %div3A_24 : vector<256x1xf32>
    %sub3A = vector.broadcast %div3A_25 : vector<256x1xf32> to vector<256x64xf32>
    %sub3A_26 = arith.subf %add3A_22, %sub3A : vector<256x64xf32>
    %mul3A = arith.mulf %sub3A_26, %sub3A_26 : vector<256x64xf32>
    %reduce_sum3A_27 = arith.constant dense<0.000000e+00> : vector<256xf32>
    %reduce_sum3A_28 = vector.multi_reduction <add>, %mul3A, %reduce_sum3A_27 [1] : vector<256x64xf32> to vector<256xf32>
    %broadcast_in_dim3A_29 = vector.shape_cast %reduce_sum3A_28 : vector<256xf32> to vector<256x1xf32>
    %div3A_30 = arith.constant 6.400000e+01 : f32
    %div3A_31 = vector.broadcast %div3A_30 : f32 to vector<256x1xf32>
    %div3A_32 = arith.divf %broadcast_in_dim3A_29, %div3A_31 : vector<256x1xf32>
    %add3A_33 = arith.constant 9.99999974E-6 : f32
    %add3A_34 = vector.broadcast %add3A_33 : f32 to vector<256x1xf32>
    %add3A_35 = arith.addf %div3A_32, %add3A_34 : vector<256x1xf32>
    %sqrt3A = math.sqrt %add3A_35 : vector<256x1xf32>
    %div3A_36 = vector.broadcast %sqrt3A : vector<256x1xf32> to vector<256x64xf32>
    %div3A_37 = arith.divf %sub3A_26, %div3A_36 : vector<256x64xf32>
    %get3A_38 = arith.constant 0 : index
    %get3A_39 = arith.constant 0 : index
    %get3A_40 = vector.load %arg6[%get3A_38, %get3A_39] : memref<1x64xf32, #tpu.memory_space<vmem>>, vector<1x64xf32>
    %mul3A_41 = vector.broadcast %get3A_40 : vector<1x64xf32> to vector<256x64xf32>
    %mul3A_42 = arith.mulf %div3A_37, %mul3A_41 : vector<256x64xf32>
    %get3A_43 = arith.constant 0 : index
    %get3A_44 = arith.constant 0 : index
    %get3A_45 = vector.load %arg7[%get3A_43, %get3A_44] : memref<1x64xf32, #tpu.memory_space<vmem>>, vector<1x64xf32>
    %add3A_46 = vector.broadcast %get3A_45 : vector<1x64xf32> to vector<256x64xf32>
    %add3A_47 = arith.addf %mul3A_42, %add3A_46 : vector<256x64xf32>
    %swap3A = arith.constant 0 : index
    %swap3A_48 = arith.constant 0 : index
    %swap3A_49 = vector.load %arg10[%swap3A, %swap3A_48] : memref<256x64xf32, #tpu.memory_space<vmem>>, vector<256x64xf32>
    tpu.vector_store %arg10[%swap3A, %swap3A_48], %add3A_47 {strides = array<i32>} : memref<256x64xf32, #tpu.memory_space<vmem>>, vector<256x64xf32>,
    %mul3A_50 = arith.mulf %add3A_47, %add3A_47 : vector<256x64xf32>
    %reduce_sum3A_51 = arith.constant dense<0.000000e+00> : vector<256xf32>
    %reduce_sum3A_52 = vector.multi_reduction <add>, %mul3A_50, %reduce_sum3A_51 [1] : vector<256x64xf32> to vector<256xf32>
    %broadcast_in_dim3A_53 = vector.shape_cast %reduce_sum3A_52 : vector<256xf32> to vector<256x1xf32>
    %broadcast_in_dim3A_54 = arith.constant 1.000000e+00 : f32
    %broadcast_in_dim3A_55 = vector.broadcast %broadcast_in_dim3A_54 : f32 to vector<1x1xf32>
    %dot_general3A_56 = arith.constant dense<0.000000e+00> : vector<1x256xf32>
    %dot_general3A_57 = tpu.matmul %broadcast_in_dim3A_55, %broadcast_in_dim3A_53, %dot_general3A_56 {dimension_numbers = #tpu.dot_dimension_numbers<[1], [1], [0], [0], [0, 0, 1, 0], [], []>, precision = #tpu.contract_precision<fp32>, transpose_lhs_hint = false} : vector<1x1xf32>, vector<256x1xf32>, vector<1x256xf32> -> vector<1x256xf32>
    %iota3A = tpu.iota {dimensions = array<i32: 0>} : vector<256x256xi32>
    %iota3A_58 = tpu.iota {dimensions = array<i32: 1>} : vector<256x256xi32>
    %gt3A = vector.broadcast %broadcast_in_dim3A_53 : vector<256x1xf32> to vector<256x256xf32>
    %gt3A_59 = vector.broadcast %dot_general3A_57 : vector<1x256xf32> to vector<256x256xf32>
    %gt3A_60 = arith.cmpf ogt, %gt3A, %gt3A_59 : vector<256x256xf32>
    %eq3A = vector.broadcast %broadcast_in_dim3A_53 : vector<256x1xf32> to vector<256x256xf32>
    %eq3A_61 = vector.broadcast %dot_general3A_57 : vector<1x256xf32> to vector<256x256xf32>
    %eq3A_62 = arith.cmpf oeq, %eq3A, %eq3A_61 : vector<256x256xf32>
    %lt3A = arith.cmpi slt, %iota3A, %iota3A_58 : vector<256x256xi32>
    %and3A = arith.andi %eq3A_62, %lt3A : vector<256x256xi1>
    %or3A = arith.ori %gt3A_60, %and3A : vector<256x256xi1>
    %jit3A = arith.constant 1.000000e+00 : f32
    %jit3A_63 = arith.constant 0.000000e+00 : f32
    %broadcast_in_dim3A_64 = vector.broadcast %jit3A : f32 to vector<256x256xf32>
    %broadcast_in_dim3A_65 = vector.broadcast %jit3A_63 : f32 to vector<256x256xf32>
    %select_n3A = arith.select %or3A, %broadcast_in_dim3A_64, %broadcast_in_dim3A_65 : vector<256x256xi1>, vector<256x256xf32>
    %swap3A_66 = arith.constant 0 : index
    %swap3A_67 = arith.constant 0 : index
    %swap3A_68 = vector.load %arg11[%swap3A_66, %swap3A_67] : memref<256x256xf32, #tpu.memory_space<vmem>>, vector<256x256xf32>
    tpu.vector_store %arg11[%swap3A_66, %swap3A_67], %select_n3A {strides = array<i32>} : memref<256x256xf32, #tpu.memory_space<vmem>>, vector<256x256xf32>,
    %get3A_69 = arith.constant 0 : index
    %get3A_70 = arith.constant 0 : index
    %get3A_71 = vector.load %arg0[%get3A_69, %get3A_70] : memref<128x1xi32, #tpu.memory_space<vmem>>, vector<128x1xi32>
    %iota3A_72 = tpu.iota {dimensions = array<i32: 1>} : vector<128x256xi32>
    %eq3A_73 = vector.broadcast %get3A_71 : vector<128x1xi32> to vector<128x256xi32>
    %eq3A_74 = arith.cmpi eq, %eq3A_73, %iota3A_72 : vector<128x256xi32>
    %jit3A_75 = arith.constant 1.000000e+00 : f32
    %jit3A_76 = arith.constant 0.000000e+00 : f32
    %broadcast_in_dim3A_77 = vector.broadcast %jit3A_75 : f32 to vector<128x256xf32>
    %broadcast_in_dim3A_78 = vector.broadcast %jit3A_76 : f32 to vector<128x256xf32>
    %select_n3A_79 = arith.select %eq3A_74, %broadcast_in_dim3A_77, %broadcast_in_dim3A_78 : vector<128x256xi1>, vector<128x256xf32>
    %dot_general3A_80 = arith.constant dense<0.000000e+00> : vector<128x64xf32>
    %dot_general3A_81 = tpu.matmul %select_n3A_79, %add3A_47, %dot_general3A_80 {dimension_numbers = #tpu.dot_dimension_numbers<[1], [0], [0], [1], [0, 0, 1, 1], [], []>, precision = #tpu.contract_precision<fp32>, transpose_lhs_hint = false} : vector<128x256xf32>, vector<256x64xf32>, vector<128x64xf32> -> vector<128x64xf32>
    %get3A_82 = arith.constant 0 : index
    %get3A_83 = arith.constant 0 : index
    %get3A_84 = vector.load %arg8[%get3A_82, %get3A_83] : memref<64x64xf32, #tpu.memory_space<vmem>>, vector<64x64xf32>
    %dot_general3A_85 = arith.constant dense<0.000000e+00> : vector<128x64xf32>
    %dot_general3A_86 = tpu.matmul %dot_general3A_81, %get3A_84, %dot_general3A_85 {dimension_numbers = #tpu.dot_dimension_numbers<[1], [0], [0], [1], [0, 0, 1, 1], [], []>, precision = #tpu.contract_precision<fp32>, transpose_lhs_hint = false} : vector<128x64xf32>, vector<64x64xf32>, vector<128x64xf32> -> vector<128x64xf32>
    %get3A_87 = arith.constant 0 : index
    %get3A_88 = arith.constant 0 : index
    %get3A_89 = vector.load %arg9[%get3A_87, %get3A_88] : memref<1x64xf32, #tpu.memory_space<vmem>>, vector<1x64xf32>
    %add3A_90 = vector.broadcast %get3A_89 : vector<1x64xf32> to vector<128x64xf32>
    %add3A_91 = arith.addf %dot_general3A_86, %add3A_90 : vector<128x64xf32>
    %dot_general3A_92 = arith.constant dense<0.000000e+00> : vector<128x256xf32>
    %dot_general3A_93 = tpu.matmul %add3A_91, %add3A_47, %dot_general3A_92 {dimension_numbers = #tpu.dot_dimension_numbers<[1], [1], [0], [0], [0, 0, 1, 0], [], []>, precision = #tpu.contract_precision<fp32>, transpose_lhs_hint = false} : vector<128x64xf32>, vector<256x64xf32>, vector<128x256xf32> -> vector<128x256xf32>
    %mul3A_94 = arith.constant 1.250000e-01 : f32
    %mul3A_95 = vector.broadcast %mul3A_94 : f32 to vector<128x256xf32>
    %mul3A_96 = arith.mulf %dot_general3A_93, %mul3A_95 : vector<128x256xf32>
    %reduce_max3A = arith.constant dense<0xFF800000> : vector<128xf32>
    %reduce_max3A_97 = vector.multi_reduction <maximumf>, %mul3A_96, %reduce_max3A [1] : vector<128x256xf32> to vector<128xf32>
    %broadcast_in_dim3A_98 = vector.shape_cast %reduce_max3A_97 : vector<128xf32> to vector<128x1xf32>
    %sub3A_99 = vector.broadcast %broadcast_in_dim3A_98 : vector<128x1xf32> to vector<128x256xf32>
    %sub3A_100 = arith.subf %mul3A_96, %sub3A_99 : vector<128x256xf32>
    %exp3A = math.exp %sub3A_100 : vector<128x256xf32>
    %swap3A_101 = arith.constant 0 : index
    %swap3A_102 = arith.constant 0 : index
    %swap3A_103 = vector.load %arg12[%swap3A_101, %swap3A_102] : memref<128x256xf32, #tpu.memory_space<vmem>>, vector<128x256xf32>
    tpu.vector_store %arg12[%swap3A_101, %swap3A_102], %exp3A {strides = array<i32>} : memref<128x256xf32, #tpu.memory_space<vmem>>, vector<128x256xf32>,
    return
  }
}

</mosaic_0001>

<sc_bundles>
// kernel: kernel.5.cloned.1.call-start
scs
__scs_entry_jumppad:
0x0: {  	(pc) =	sbr.rel $0x88, $3  }
0x1: {  	(tag) =	ssettag $0x0;
	lr =	simm.s32 $0x1  }
0x2: {  	[smem:$0x3F95] =	sst lr;
	_ =	strace $0xD0000000  }
0x3: {  	_ = 	snop  }
0x4: {  	_ = 	snop  }
0x5: {  	_ = 	snop  }
0x6: {  	_ = 	snop  }
0x7: {  	_ = 	snop  }
__scs_overlays_trampoline_lowered:
0x8: {  	[smem:$0x3FA4] =	sst s0  }
0x9: {  	[smem:$0x3FA5] =	sst s1  }
0xa: {  	[smem:$0x3FA6] =	sst s2  }
0xb: {  	[smem:$0x3FA7] =	sst s3  }
0xc: {  	[smem:$0x3FA8] =	sst s4  }
0xd: {  	[smem:$0x3FA9] =	sst s5  }
0xe: {  	[smem:$0x3FAA] =	sst s6  }
0xf: {  	[smem:$0x3FAB] =	sst s7  }
0x10: {  	[smem:$0x3FAC] =	sst s8  }
0x11: {  	[smem:$0x3FAD] =	sst s9;
	s0 =	simm.s32 @!p0 $0x0  }
0x12: {  	s1 =	sld [smem:$0x3F93];
	s0 =	simm.s32 @p0 $0x1  }
0x13: {  	[smem:$0x3FAE] =	sst s0;
	s0 =	simm.s32 @!p1 $0x0  }
0x14: {  	s2 =	sld [smem:$0x3F92];
	s0 =	simm.s32 @p1 $0x1  }
0x15: {  	[smem:$0x3FAF] =	sst s0;
	s0 =	simm.s32 @!p2 $0x0  }
0x16: {  	s3 =	sld [smem:$0x3FDB];
	s0 =	simm.s32 @p2 $0x1  }
0x17: {  	s4 =	simm.s32 $0x1BF5;
	[smem:$0x3FB1] =	sst s0  }
0x18: {  	s0 =	sld [smem:$0x3F94];
	_ =	swait.ge [sflag:s4], $0x0  }
0x19: {  	s7 =	sld [smem:$0x3F95]  }
0x1a: {  	s8 =	sadd.s32 $0xFFFFE003, lr  }
0x1b: {  	s9 =	sadd.s32 $0xFFFFFEF7, lr;
	s5 =	simm.s32 $0xFFFFFFFF;
	p2 =	slt.u32 s8, $0xFFFFF086  }
0x1c: {  	p1 =	slt.u32 s9, $0xF7A;
	s5 =	simm.s32 @!p2 $0x0  }
0x1d: {  	s5 =	simm.s32 @p1 $0x1;
	p0 =	seq.s32 s7, s2  }
0x1e: {  	s7 =	smul.u32 @!p0 $0xF7A, s2;
	p2 =	seq.s32 @!p0 s5, $0x0  }
0x1f: {  	s9 =	smul.u32 $0xF7A, s1;
	s8 =	simm.s32 @!p0 $0x1BF5;
	p2 =	por !p2, p0  }
0x20: {  	[sflag:s8] =	ssyncset.s32 @!p0 $0xFFFFF086;
	s6 =	sadd.s32 @!p0 s3, s7;
	s7 =	simm.s32 @!p0 $0x108  }
0x21: {  	s3 =	sadd.s32 s3, s9;
	s6 =	sadd.s32 @!p0 $0x88, s6;
	s7 =	simm.s32 @p2 $0x1082  }
0x22: {  	[simem:s7], [sflag:s8] =	dma.local @!p0 [hbm:s6], $0xF7A  }
0x23: {  	s9 =	sor.u32 $0xD0000000, s2;
	s6 =	simm.s32 $0x108;
	_ =	swait.ge @!p0 [sflag:s8], $0x0  }
0x24: {  	s3 =	sadd.s32 $0x88, s3;
	s6 =	simm.s32 @!p1 $0x1082;
	[sflag:s4] =	ssyncset.s32 $0xFFFFF086  }
0x25: {  	[simem:s6], [sflag:s4] =	dma.local [hbm:s3], $0xF7A  }
0x26: {  	[smem:$0x3F95] =	sst s1;
	(tag) =	ssettag s2;
	_ =	strace s9  }
0x27: {  	s1 =	sld [smem:$0x3FA5]  }
0x28: {  	s2 =	sld [smem:$0x3FA6]  }
0x29: {  	s4 =	sld [smem:$0x3FA8]  }
0x2a: {  	p0 =	seq.s32 s5, $0x0;
	s5 =	sld [smem:$0x3FA9]  }
0x2b: {  	s6 =	sld [smem:$0x3FAA]  }
0x2c: {  	s7 =	sld [smem:$0x3FAB]  }
0x2d: {  	s3 =	simm.s32 $0x108;
	s8 =	sld [smem:$0x3FAC]  }
0x2e: {  	s3 =	simm.s32 @!p0 $0x1082;
	s9 =	sld [smem:$0x3FAD]  }
0x2f: {  	lr =	sadd.s32 s0, s3;
	s0 =	sld [smem:$0x3FA4]  }
0x30: {  	s3 =	sld [smem:$0x3FA7]  }
0x31: {  	[smem:$0x3FB0] =	sst s10  }
0x32: {  	s10 =	sld [smem:$0x3FAE];
	_ =	sdelay $0x3  }
0x33: {  	p0 =	seq.s32 s10, $0x1;
	s10 =	sld [smem:$0x3FB0];
	_ =	sdelay $0x3  }
0x34: {  	[smem:$0x3FB0] =	sst s10  }
0x35: {  	s10 =	sld [smem:$0x3FAF];
	_ =	sdelay $0x3  }
0x36: {  	p1 =	seq.s32 s10, $0x1;
	s10 =	sld [smem:$0x3FB0];
	_ =	sdelay $0x3  }
0x37: {  	[smem:$0x3FB0] =	sst s10  }
0x38: {  	s10 =	sld [smem:$0x3FB1]  }
0x39: {  	_ = 	snop;
	(pc) =	sbr.ind lr, $3  }
0x3a: {  	_ = 	snop  }
0x3b: {  	_ = 	snop  }
0x3c: {  	p2 =	seq.s32 s10, $0x1;
	s10 =	sld [smem:$0x3FB0]  }
0x3d: {  	_ =	shalt  }
0x3e: {  	_ =	shalt  }
0x3f: {  	_ =	shalt  }
0x40: {  	_ =	shalt  }
0x41: {  	_ =	shalt  }
0x42: {  	_ =	shalt  }
0x43: {  	_ =	shalt  }
0x44: {  	_ =	shalt  }
0x45: {  	_ =	shalt  }
0x46: {  	_ =	shalt  }
0x47: {  	_ =	shalt  }
0x48: {  	_ =	shalt  }
0x49: {  	_ =	shalt  }
0x4a: {  	_ =	shalt  }
0x4b: {  	_ =	shalt  }
0x4c: {  	_ =	shalt  }
0x4d: {  	_ =	shalt  }
0x4e: {  	_ =	shalt  }
0x4f: {  	_ =	shalt  }
0x50: {  	_ =	shalt  }
0x51: {  	_ =	shalt  }
0x52: {  	_ =	shalt  }
0x53: {  	_ =	shalt  }
0x54: {  	_ =	shalt  }
0x55: {  	_ =	shalt  }
0x56: {  	_ =	shalt  }
0x57: {  	_ =	shalt  }
0x58: {  	_ =	shalt  }
0x59: {  	_ =	shalt  }
0x5a: {  	_ =	shalt  }
0x5b: {  	_ =	shalt  }
0x5c: {  	_ =	shalt  }
0x5d: {  	_ =	shalt  }
0x5e: {  	_ =	shalt  }
0x5f: {  	_ =	shalt  }
0x60: {  	_ =	shalt  }
0x61: {  	_ =	shalt  }
0x62: {  	_ =	shalt  }
0x63: {  	_ =	shalt  }
0x64: {  	_ =	shalt  }
0x65: {  	_ =	shalt  }
0x66: {  	_ =	shalt  }
0x67: {  	_ =	shalt  }
0x68: {  	_ =	shalt  }
0x69: {  	_ =	shalt  }
0x6a: {  	_ =	shalt  }
0x6b: {  	_ =	shalt  }
0x6c: {  	_ =	shalt  }
0x6d: {  	_ =	shalt  }
0x6e: {  	_ =	shalt  }
0x6f: {  	_ =	shalt  }
0x70: {  	_ =	shalt  }
0x71: {  	_ =	shalt  }
0x72: {  	_ =	shalt  }
0x73: {  	_ =	shalt  }
0x74: {  	_ =	shalt  }
0x75: {  	_ =	shalt  }
0x76: {  	_ =	shalt  }
0x77: {  	_ =	shalt  }
0x78: {  	_ =	shalt  }
0x79: {  	_ =	shalt  }
0x7a: {  	_ =	shalt  }
0x7b: {  	_ =	shalt  }
0x7c: {  	_ =	shalt  }
0x7d: {  	_ =	shalt  }
0x7e: {  	_ =	shalt  }
0x7f: {  	_ =	shalt  }
0x80: {  	_ =	shalt  }
0x81: {  	_ =	shalt  }
0x82: {  	_ =	shalt  }
0x83: {  	_ =	shalt  }
0x84: {  	_ =	shalt  }
0x85: {  	_ =	shalt  }
0x86: {  	_ =	shalt  }
0x87: {  	_ =	shalt  }
.Lfunc_end0:
.L_simem_size_0:
called_computation_lowered:
.L_overlay_start_0:
0x88: {  	s2 =	sld [smem:$0x3FD9]  }
0x89: {  	s3 =	sld [smem:$0x3FFE];
	_ =	sdelay $0x1  }
0x8a: {  	s1 =	srdreg.scid  }
0x8b: {  	s0 =	sand.u32 $0x1, s1  }
0x8c: {  	s18 =	sshll.u32 s0, $0xA;
	s2 =	sadd.s32 s3, s2  }
0x8d: {  	s2 =	sadd.s32 s2, s18  }
0x8e: {  	[smem:$0x3FBC] =	sst s2  }
0x8f: {  	_ = 	snop  }
0x90: {  	s2 =	sld [smem:$0x3FC9]  }
0x91: {  	s19 =	sld [smem:$0x3FD0];
	(tm) =	ssettm $0x1  }
0x92: {  	s4 =	sld [smem:$0x3FFB];
	_ =	sdelay $0x3  }
0x93: {  	_ =	strace s4  }
0x94: {  	s4 =	sld [smem:$0x3FFC];
	_ =	sdelay $0x3  }
0x95: {  	_ =	strace s4  }
0x96: {  	s4 =	sld [smem:$0x3FFD];
	_ =	sdelay $0x3  }
0x97: {  	_ =	strace s4  }
0x98: {  	_ =	strace $0x8FFFFFFF  }
0x99: {  	s20 =	sld [smem:$0x3FDB];
	_ =	sdelay $0x1  }
0x9a: {  	s5 =	simm.s32 $_scs_section_size  }
0x9b: {  	s6 =	simm.s32 $_size__tile_overlayer_lowered;
	s7 =	simm.s32 $_tile_overlayer_lowered  }
0x9c: {  	s23 =	simm.s32 $0x1BFF;
	s22 =	sshll.u32 s7, $0x1;
	s4 =	sadd.s32 s5, s20  }
0x9d: {  	s8 =	simm.s32 $0x0;
	s21 =	sshll.u32 s6, $0x1;
	s6 =	sadd.s32 s22, s4  }
0x9e: {  	[timem:s8], [sflag:s23] =	dma.local [hbm:s6], s21  }
0x9f: {  	_ =	swait.ge [sflag:s23], s21  }
0xa0: {  	s5 =	ssub.s32 $0x0, s21;
	[sflag:s23] =	ssyncset.done $0x0  }
0xa1: {  	[sflag:s23] =	ssyncadd.s32 s5;
	_ =	sdelay $0x1  }
0xa2: {  	s24 =	simm.s32 $0x1B8B  }
0xa3: {  	_ =	swait.ge [sflag:s24], $0x1  }
0xa4: {  	[sflag:s24] =	ssyncset.done $0x0  }
0xa5: {  	s25 =	simm.s32 $0x1B8E;
	[sflag:s24] =	ssyncadd.s32 $0xFFFFFFFF  }
0xa6: {  	s26 =	simm.s32 $execute0_lowered;
	[smem:$0x3FD2] =	sst s25  }
0xa7: {  	s5 =	sshll.u32 s26, $0x1;
	_ =	strace $0x80000046;
	[dreg:$0x1] =	wrdreg $0xFFFFFFFF  }
0xa8: {  	s28 =	simm.s32 $_size_execute0_lowered;
	s4 =	sadd.s32 s4, s5;
	[dreg:$0x0] =	wrdreg $0x0  }
0xa9: {  	s5 =	sshll.u32 s28, $0x1;
	[dreg:$0x2] =	wrdreg s4  }
0xaa: {  	[dreg:$0x3] =	wrdreg s5  }
0xab: {  	[dreg:$0x4] =	wrdreg $0xC0  }
0xac: {  	_ =	task [dreg:s8], $0x5FFFF  }
0xad: {  	[dreg:$0x1] =	wrdreg $0xFFFFFFFF  }
0xae: {  	[dreg:$0x0] =	wrdreg $0x60  }
0xaf: {  	[dreg:$0x2] =	wrdreg s2  }
0xb0: {  	[dreg:$0x3] =	wrdreg s19  }
0xb1: {  	[dreg:$0x4] =	wrdreg $0x9  }
0xb2: {  	_ =	task.clear_ibuf [dreg:s8], $0x5FFFF;
	_ =	strace $0x90000046  }
0xb3: {  	s29 =	simm.s32 $0x9;
	_ =	strace $0x80000048  }
0xb4: {  	_ =	swait.ge [sflag:s29], $0x1  }
0xb5: {  	[sflag:s29] =	ssyncadd.s32 $0xFFFFFFFF  }
0xb6: {  	_ =	strace $0x90000048  }
0xb7: {  	_ =	sfence  }
0xb8: {  	s30 =	sld [smem:$0x0];
	_ =	sdelay $0x2  }
0xb9: {  	s31 =	sshll.u32 s1, $0xD;
	s1 =	sshrl.u32 s1, $0x2  }
0xba: {  	s3 =	sand.u32 $0x4000, s31;
	s1 =	sadd.s32 s1, s30  }
0xbb: {  	s0 =	sor.u32 s3, s0;
	s1 =	sshll.u32 s1, $0x11  }
0xbc: {  	s0 =	sor.u32 s1, s0  }
0xbd: {  	s0 =	sadd.s32 $0x8F2B, s0  }
0xbe: {  	[sflag:s0] =	ssyncadd.remote.s32 $0x1  }
0xbf: {  	_ =	sfence.sel $0xFFFF  }
0xc0: {  	[dreg:$0x0] =	wrdreg $0xFFFFFFFF;
	(pc) =	sbr.abs _section_cstart, $3  }
0xc1: {  	[dreg:$0x1] =	wrdreg $0xFFFFFFFF  }
0xc2: {  	_ =	task.clear_ibuf [dreg:s8], $0x2FFFF;
	_ =	strace $0x9FFFFFFF  }
0xc3: {  	(tm) =	ssettm $0x7FFFFFFF  }
tec
execute0_lowered:
.L_overlay_start_1:
0x0: {  	(tag) =	ssettag $0x1  }
0x1: {  	s3 =	rddreg [dreg:$0x0]  }
0x2: {  	s7 =	rddreg [dreg:$0x1]  }
0x3: {  	s0 =	rddreg [dreg:$0x2];
	s4 =	srdreg.scid  }
0x4: {  	s2 =	simm.s32 $0x0;
	s1 =	stileid.u32;
	s11 =	simm.s32 $0x8100  }
0x5: {  	s12 =	simm.s32 $0x8200;
	s13 =	simm.s32 $0x8300;
	s14 =	simm.s32 $0x2  }
0x6: {  	s15 =	simm.s32 $0x0;
	s6 =	sand.u32 $0x1, s4;
	s8 =	sshll.u32 s1, $0xD  }
0x7: {  	[smem:$0x7FF] =	sst s2;
	s10 =	sshll.u32 s1, $0x8;
	s4 =	ssub.s32 $0x2, s6  }
0x8: {  	s5 =	sshll.u32 s6, $0x6;
	_ =	strace $0x80000047;
	s31 =	sshll.u32 s6, $0x7  }
0x9: {  	s9 =	sshrl.u32 s4, $0x1;
	s5 =	sor.u32 s5, s8;
	s7 =	sadd.s32 s7, s31  }
0xa: {  	s30 =	ssub.s32 s4, s9;
	s3 =	sadd.s32 s3, s5;
	s7 =	sadd.s32 s10, s7  }
0xb: {  	s9 =	simm.s32 $0x1;
	s10 =	simm.s32 $0x8000;
	s4 =	sadd.s32 $0x10, s3  }
0xc: {  	v0 =	vimm.s32 $0x0;
	v1 =	vimm.s32 $0x1;
	s5 =	sadd.s32 $0x20, s3;
	s6 =	sadd.s32 $0x30, s3;
	s8 =	smax.u32 s30, $0x1  }
.LBB2_1:
0xd: {  	s16 =	simm.s32 $0x80  }
0xe: {  	s19 =	sadd.s32 $0x0, s3;
	s17 =	simm.s32 $0x200;
	s18 =	simm.s32 $0x0  }
.LBB2_2:
0xf: {  	[tilespmem:s18], [sflag:$0x1] =	stream.linear.gather [hbm4b:s19+s2], $0x80, $0x38;
	[tilespmem:$0x8400] =	vst v63  }
0x10: {  	s19 =	smov.u32 s16;
	s18 =	smov.u32 s17;
	p0 =	sne.s32 s16, $0x1F80  }
.Ltmp0:
0x11: {  	s16 =	sadd.s32 $0x80, s16;
	(pc) =	sbr.rel @p0 .LBB2_2-.Ltmp0, $2  }
0x12: {  	_ =	sdelay $0x2  }
0x13: {  	s17 =	sadd.s32 $0x200, s17;
	s19 =	sadd.s32 s19, s3  }
0x14: {  	[tilespmem:s18], [sflag:$0x1] =	stream.linear.gather [hbm4b:s19+s2], $0x80, $0x38;
	[tilespmem:$0x8400] =	vst v63  }
0x15: {  	s16 =	simm.s32 $0x80  }
0x16: {  	s17 =	simm.s32 $0x80;
	s19 =	sadd.s32 $0x0, s4;
	s18 =	simm.s32 $0x280  }
.LBB2_4:
0x17: {  	[tilespmem:s16], [sflag:$0x1] =	stream.linear.gather [hbm4b:s19+s2], $0x80, $0x38;
	[tilespmem:$0x8400] =	vst v63  }
0x18: {  	s19 =	smov.u32 s17;
	s16 =	smov.u32 s18;
	p0 =	sne.s32 s17, $0x1F80  }
.Ltmp1:
0x19: {  	s17 =	sadd.s32 $0x80, s17;
	(pc) =	sbr.rel @p0 .LBB2_4-.Ltmp1, $2  }
0x1a: {  	_ =	sdelay $0x2  }
0x1b: {  	s18 =	sadd.s32 $0x200, s18;
	s19 =	sadd.s32 s19, s4  }
0x1c: {  	[tilespmem:s16], [sflag:$0x1] =	stream.linear.gather [hbm4b:s19+s2], $0x80, $0x38;
	[tilespmem:$0x8400] =	vst v63  }
0x1d: {  	s16 =	simm.s32 $0x100  }
0x1e: {  	s17 =	simm.s32 $0x80;
	s19 =	sadd.s32 $0x0, s5;
	s18 =	simm.s32 $0x300  }
.LBB2_6:
0x1f: {  	[tilespmem:s16], [sflag:$0x1] =	stream.linear.gather [hbm4b:s19+s2], $0x80, $0x38;
	[tilespmem:$0x8400] =	vst v63  }
0x20: {  	s19 =	smov.u32 s17;
	s16 =	smov.u32 s18;
	p0 =	sne.s32 s17, $0x1F80  }
.Ltmp2:
0x21: {  	s17 =	sadd.s32 $0x80, s17;
	(pc) =	sbr.rel @p0 .LBB2_6-.Ltmp2, $2  }
0x22: {  	_ =	sdelay $0x2  }
0x23: {  	s18 =	sadd.s32 $0x200, s18;
	s19 =	sadd.s32 s19, s5  }
0x24: {  	[tilespmem:s16], [sflag:$0x1] =	stream.linear.gather [hbm4b:s19+s2], $0x80, $0x38;
	[tilespmem:$0x8400] =	vst v63  }
0x25: {  	s16 =	simm.s32 $0x0;
	s17 =	simm.s32 $0x180  }
.LBB2_8:
0x26: {  	p0 =	sne.s32 s16, $0x1F80  }
.Ltmp3:
0x27: {  	_ = 	snop;
	(pc) =	sbr.rel @p0 .LBB2_8-.Ltmp3, $4  }
0x28: {  	_ = 	snop  }
0x29: {  	s18 =	sadd.s32 s16, s6  }
0x2a: {  	[tilespmem:s17], [sflag:$0x1] =	stream.linear.gather [hbm4b:s18+s2], $0x80, $0x38;
	[tilespmem:$0x8400] =	vst v63  }
0x2b: {  	s16 =	sadd.s32 $0x80, s16;
	s17 =	sadd.s32 $0x200, s17  }
0x2c: {  	s16 =	simm.s32 $0x8020  }
0x2d: {  	[tilespmem:s16+$0xFFFFFFE0] =	vst v0  }
0x2e: {  	[tilespmem:s16+$0x10] =	vst v0  }
0x2f: {  	s17 =	simm.s32 $0x0;
	[tilespmem:s16+$0x0] =	vst v0  }
.LBB2_10:
0x30: {  	s17 =	sadd.s32 $0x4, s17  }
0x31: {  	[tilespmem:s16+$0xFFFFFFF0] =	vst v0;
	s16 =	sadd.s32 $0x40, s16;
	p0 =	slt.u32 s17, $0x3C  }
.Ltmp4:
0x32: {  	[tilespmem:s16+$0xFFFFFFE0] =	vst v0;
	(pc) =	sbr.rel @p0 .LBB2_10-.Ltmp4, $3  }
0x33: {  	_ =	sdelay $0x1  }
0x34: {  	[tilespmem:s16+$0x10] =	vst v0  }
0x35: {  	[tilespmem:s16+$0x0] =	vst v0  }
0x36: {  	[tilespmem:s16+$0xFFFFFFF0] =	vst v0  }
0x37: {  	_ =	swait.ge [sflag:s9], $0x2000  }
0x38: {  	[sflag:s9] =	ssyncset.done $0x0  }
0x39: {  	s16 =	simm.s32 $0x200;
	[sflag:s9] =	ssyncadd.s32 $0xFFFFE000  }
0x3a: {  	v3 =	vld [tilespmem:s16+$0x30]  }
0x3b: {  	v4 =	vld [tilespmem:s16+$0x40]  }
0x3c: {  	v2 =	vld [tilespmem:s16+$0xFFFFFE00]  }
0x3d: {  	v5 =	vld [tilespmem:s16+$0x70]  }
0x3e: {  	v6 =	vld [tilespmem:s16+$0xFFFFFE50]  }
0x3f: {  	v7 =	vld [tilespmem:s16+$0xFFFFFE60]  }
0x40: {  	v8 =	vld [tilespmem:s16+$0xFFFFFE70]  }
0x41: {  	v9 =	vld [tilespmem:s16+$0x0]  }
0x42: {  	v10 =	vld [tilespmem:s16+$0x60]  }
0x43: {  	v11 =	vld [tilespmem:s16+$0x50]  }
0x44: {  	v62 =	vld [tilespmem:s16+$0xFFFFFE20]  }
0x45: {  	v12 =	vld [tilespmem:s16+$0x20]  }
0x46: {  	v13 =	vld [tilespmem:s16+$0x10]  }
0x47: {  	v63 =	vld [tilespmem:s16+$0xFFFFFE30]  }
0x48: {  	[tilespmem:v2+s10+$0x0] =	vst.idx.add.s32.msk $0xffff, v1  }
0x49: {  	[tilespmem:v5+s10+$0x0] =	vst.idx.add.s32.msk $0xffff, v1  }
0x4a: {  	v2 =	vld [tilespmem:s16+$0xFFFFFE10]  }
0x4b: {  	[tilespmem:v10+s10+$0x0] =	vst.idx.add.s32.msk $0xffff, v1  }
0x4c: {  	[tilespmem:v11+s10+$0x0] =	vst.idx.add.s32.msk $0xffff, v1  }
0x4d: {  	[tilespmem:v4+s10+$0x0] =	vst.idx.add.s32.msk $0xffff, v1  }
0x4e: {  	[tilespmem:v3+s10+$0x0] =	vst.idx.add.s32.msk $0xffff, v1  }
0x4f: {  	v3 =	vld [tilespmem:s16+$0xFFFFFE40]  }
0x50: {  	[tilespmem:v12+s10+$0x0] =	vst.idx.add.s32.msk $0xffff, v1  }
0x51: {  	[tilespmem:v13+s10+$0x0] =	vst.idx.add.s32.msk $0xffff, v1  }
0x52: {  	[tilespmem:v9+s10+$0x0] =	vst.idx.add.s32.msk $0xffff, v1  }
0x53: {  	[tilespmem:v8+s10+$0x0] =	vst.idx.add.s32.msk $0xffff, v1  }
0x54: {  	[tilespmem:v7+s10+$0x0] =	vst.idx.add.s32.msk $0xffff, v1  }
0x55: {  	[tilespmem:v6+s10+$0x0] =	vst.idx.add.s32.msk $0xffff, v1  }
0x56: {  	[tilespmem:v63+s10+$0x0] =	vst.idx.add.s32.msk $0xffff, v1  }
0x57: {  	[tilespmem:v62+s10+$0x0] =	vst.idx.add.s32.msk $0xffff, v1  }
0x58: {  	s17 =	simm.s32 $0x0;
	[tilespmem:v3+s10+$0x0] =	vst.idx.add.s32.msk $0xffff, v1  }
.LBB2_12:
0x59: {  	s17 =	sadd.s32 $0x10, s17;
	[tilespmem:v2+s10+$0x0] =	vst.idx.add.s32.msk $0xffff, v1;
	s16 =	sadd.s32 $0x400, s16  }
0x5a: {  	v3 =	vld [tilespmem:s16+$0x30];
	p0 =	slt.u32 s17, $0x1E0  }
0x5b: {  	v4 =	vld [tilespmem:s16+$0x40]  }
0x5c: {  	v2 =	vld [tilespmem:s16+$0xFFFFFE00]  }
0x5d: {  	v5 =	vld [tilespmem:s16+$0x70]  }
0x5e: {  	v6 =	vld [tilespmem:s16+$0xFFFFFE50]  }
0x5f: {  	v7 =	vld [tilespmem:s16+$0xFFFFFE60]  }
0x60: {  	v8 =	vld [tilespmem:s16+$0xFFFFFE70]  }
0x61: {  	v9 =	vld [tilespmem:s16+$0x0]  }
0x62: {  	v10 =	vld [tilespmem:s16+$0x60]  }
0x63: {  	v11 =	vld [tilespmem:s16+$0x50]  }
0x64: {  	[tilespmem:v2+s10+$0x0] =	vst.idx.add.s32.msk $0xffff, v1  }
0x65: {  	[tilespmem:v5+s10+$0x0] =	vst.idx.add.s32.msk $0xffff, v1  }
0x66: {  	v2 =	vld [tilespmem:s16+$0xFFFFFE10]  }
0x67: {  	v5 =	vld [tilespmem:s16+$0xFFFFFE20]  }
0x68: {  	v12 =	vld [tilespmem:s16+$0x20]  }
0x69: {  	v13 =	vld [tilespmem:s16+$0x10]  }
0x6a: {  	[tilespmem:v10+s10+$0x0] =	vst.idx.add.s32.msk $0xffff, v1  }
0x6b: {  	[tilespmem:v11+s10+$0x0] =	vst.idx.add.s32.msk $0xffff, v1  }
0x6c: {  	[tilespmem:v4+s10+$0x0] =	vst.idx.add.s32.msk $0xffff, v1  }
0x6d: {  	[tilespmem:v3+s10+$0x0] =	vst.idx.add.s32.msk $0xffff, v1  }
0x6e: {  	v3 =	vld [tilespmem:s16+$0xFFFFFE40]  }
0x6f: {  	v4 =	vld [tilespmem:s16+$0xFFFFFE30]  }
0x70: {  	[tilespmem:v12+s10+$0x0] =	vst.idx.add.s32.msk $0xffff, v1  }
0x71: {  	[tilespmem:v13+s10+$0x0] =	vst.idx.add.s32.msk $0xffff, v1  }
0x72: {  	[tilespmem:v9+s10+$0x0] =	vst.idx.add.s32.msk $0xffff, v1  }
0x73: {  	[tilespmem:v8+s10+$0x0] =	vst.idx.add.s32.msk $0xffff, v1  }
.Ltmp5:
0x74: {  	[tilespmem:v7+s10+$0x0] =	vst.idx.add.s32.msk $0xffff, v1;
	(pc) =	sbr.rel @p0 .LBB2_12-.Ltmp5, $4  }
0x75: {  	[tilespmem:v6+s10+$0x0] =	vst.idx.add.s32.msk $0xffff, v1  }
0x76: {  	[tilespmem:v3+s10+$0x0] =	vst.idx.add.s32.msk $0xffff, v1  }
0x77: {  	[tilespmem:v4+s10+$0x0] =	vst.idx.add.s32.msk $0xffff, v1  }
0x78: {  	[tilespmem:v5+s10+$0x0] =	vst.idx.add.s32.msk $0xffff, v1  }
0x79: {  	_ =	sdelay $0x3  }
0x7a: {  	[tilespmem:v2+s10+$0x0] =	vst.idx.add.s32.msk $0xffff, v1  }
0x7b: {  	v2 =	vld [tilespmem:$0x7C00];
	_ =	sdelay $0x7  }
0x7c: {  	[tilespmem:v2+s10+$0x0] =	vst.idx.add.s32.msk $0xffff, v1  }
0x7d: {  	v2 =	vld [tilespmem:$0x7C10];
	_ =	sdelay $0x7  }
0x7e: {  	[tilespmem:v2+s10+$0x0] =	vst.idx.add.s32.msk $0xffff, v1  }
0x7f: {  	v2 =	vld [tilespmem:$0x7C20];
	_ =	sdelay $0x7  }
0x80: {  	[tilespmem:v2+s10+$0x0] =	vst.idx.add.s32.msk $0xffff, v1  }
0x81: {  	v2 =	vld [tilespmem:$0x7C30];
	_ =	sdelay $0x7  }
0x82: {  	[tilespmem:v2+s10+$0x0] =	vst.idx.add.s32.msk $0xffff, v1  }
0x83: {  	v2 =	vld [tilespmem:$0x7C40];
	_ =	sdelay $0x7  }
0x84: {  	[tilespmem:v2+s10+$0x0] =	vst.idx.add.s32.msk $0xffff, v1  }
0x85: {  	v2 =	vld [tilespmem:$0x7C50];
	_ =	sdelay $0x7  }
0x86: {  	[tilespmem:v2+s10+$0x0] =	vst.idx.add.s32.msk $0xffff, v1  }
0x87: {  	v2 =	vld [tilespmem:$0x7C60];
	_ =	sdelay $0x7  }
0x88: {  	[tilespmem:v2+s10+$0x0] =	vst.idx.add.s32.msk $0xffff, v1  }
0x89: {  	v2 =	vld [tilespmem:$0x7C70];
	_ =	sdelay $0x7  }
0x8a: {  	[tilespmem:v2+s10+$0x0] =	vst.idx.add.s32.msk $0xffff, v1  }
0x8b: {  	v2 =	vld [tilespmem:$0x7E00];
	_ =	sdelay $0x7  }
0x8c: {  	[tilespmem:v2+s10+$0x0] =	vst.idx.add.s32.msk $0xffff, v1  }
0x8d: {  	v2 =	vld [tilespmem:$0x7E10];
	_ =	sdelay $0x7  }
0x8e: {  	[tilespmem:v2+s10+$0x0] =	vst.idx.add.s32.msk $0xffff, v1  }
0x8f: {  	v2 =	vld [tilespmem:$0x7E20];
	_ =	sdelay $0x7  }
0x90: {  	[tilespmem:v2+s10+$0x0] =	vst.idx.add.s32.msk $0xffff, v1  }
0x91: {  	v2 =	vld [tilespmem:$0x7E30];
	_ =	sdelay $0x7  }
0x92: {  	[tilespmem:v2+s10+$0x0] =	vst.idx.add.s32.msk $0xffff, v1  }
0x93: {  	v2 =	vld [tilespmem:$0x7E40];
	_ =	sdelay $0x7  }
0x94: {  	[tilespmem:v2+s10+$0x0] =	vst.idx.add.s32.msk $0xffff, v1  }
0x95: {  	v2 =	vld [tilespmem:$0x7E50];
	_ =	sdelay $0x7  }
0x96: {  	[tilespmem:v2+s10+$0x0] =	vst.idx.add.s32.msk $0xffff, v1  }
0x97: {  	v2 =	vld [tilespmem:$0x7E60];
	_ =	sdelay $0x7  }
0x98: {  	[tilespmem:v2+s10+$0x0] =	vst.idx.add.s32.msk $0xffff, v1  }
0x99: {  	v2 =	vld [tilespmem:$0x7E70];
	_ =	sdelay $0x7  }
0x9a: {  	[tilespmem:v2+s10+$0x0] =	vst.idx.add.s32.msk $0x1fff, v1  }
0x9b: {  	_ =	swait.ge [sflag:s9], $0x2000  }
0x9c: {  	[sflag:s9] =	ssyncset.done $0x0  }
0x9d: {  	s16 =	simm.s32 $0x280;
	[sflag:s9] =	ssyncadd.s32 $0xFFFFE000  }
0x9e: {  	v3 =	vld [tilespmem:s16+$0x30]  }
0x9f: {  	v4 =	vld [tilespmem:s16+$0x40]  }
0xa0: {  	v2 =	vld [tilespmem:s16+$0xFFFFFE00]  }
0xa1: {  	v5 =	vld [tilespmem:s16+$0x70]  }
0xa2: {  	v6 =	vld [tilespmem:s16+$0xFFFFFE50]  }
0xa3: {  	v7 =	vld [tilespmem:s16+$0xFFFFFE60]  }
0xa4: {  	v8 =	vld [tilespmem:s16+$0xFFFFFE70]  }
0xa5: {  	v9 =	vld [tilespmem:s16+$0x0]  }
0xa6: {  	v10 =	vld [tilespmem:s16+$0x60]  }
0xa7: {  	v11 =	vld [tilespmem:s16+$0x50]  }
0xa8: {  	v62 =	vld [tilespmem:s16+$0xFFFFFE20]  }
0xa9: {  	v12 =	vld [tilespmem:s16+$0x20]  }
0xaa: {  	v13 =	vld [tilespmem:s16+$0x10]  }
0xab: {  	v63 =	vld [tilespmem:s16+$0xFFFFFE30]  }
0xac: {  	[tilespmem:v2+s11+$0x0] =	vst.idx.add.s32.msk $0xffff, v1  }
0xad: {  	[tilespmem:v5+s11+$0x0] =	vst.idx.add.s32.msk $0xffff, v1  }
0xae: {  	v2 =	vld [tilespmem:s16+$0xFFFFFE10]  }
0xaf: {  	[tilespmem:v10+s11+$0x0] =	vst.idx.add.s32.msk $0xffff, v1  }
0xb0: {  	[tilespmem:v11+s11+$0x0] =	vst.idx.add.s32.msk $0xffff, v1  }
0xb1: {  	[tilespmem:v4+s11+$0x0] =	vst.idx.add.s32.msk $0xffff, v1  }
0xb2: {  	[tilespmem:v3+s11+$0x0] =	vst.idx.add.s32.msk $0xffff, v1  }
0xb3: {  	v3 =	vld [tilespmem:s16+$0xFFFFFE40]  }
0xb4: {  	[tilespmem:v12+s11+$0x0] =	vst.idx.add.s32.msk $0xffff, v1  }
0xb5: {  	[tilespmem:v13+s11+$0x0] =	vst.idx.add.s32.msk $0xffff, v1  }
0xb6: {  	[tilespmem:v9+s11+$0x0] =	vst.idx.add.s32.msk $0xffff, v1  }
0xb7: {  	[tilespmem:v8+s11+$0x0] =	vst.idx.add.s32.msk $0xffff, v1  }
0xb8: {  	[tilespmem:v7+s11+$0x0] =	vst.idx.add.s32.msk $0xffff, v1  }
0xb9: {  	[tilespmem:v6+s11+$0x0] =	vst.idx.add.s32.msk $0xffff, v1  }
0xba: {  	[tilespmem:v63+s11+$0x0] =	vst.idx.add.s32.msk $0xffff, v1  }
0xbb: {  	[tilespmem:v62+s11+$0x0] =	vst.idx.add.s32.msk $0xffff, v1  }
0xbc: {  	s17 =	simm.s32 $0x0;
	[tilespmem:v3+s11+$0x0] =	vst.idx.add.s32.msk $0xffff, v1  }
.LBB2_14:
0xbd: {  	s17 =	sadd.s32 $0x10, s17;
	[tilespmem:v2+s11+$0x0] =	vst.idx.add.s32.msk $0xffff, v1;
	s16 =	sadd.s32 $0x400, s16  }
0xbe: {  	v3 =	vld [tilespmem:s16+$0x30];
	p0 =	slt.u32 s17, $0x1E0  }
0xbf: {  	v4 =	vld [tilespmem:s16+$0x40]  }
0xc0: {  	v2 =	vld [tilespmem:s16+$0xFFFFFE00]  }
0xc1: {  	v5 =	vld [tilespmem:s16+$0x70]  }
0xc2: {  	v6 =	vld [tilespmem:s16+$0xFFFFFE50]  }
0xc3: {  	v7 =	vld [tilespmem:s16+$0xFFFFFE60]  }
0xc4: {  	v8 =	vld [tilespmem:s16+$0xFFFFFE70]  }
0xc5: {  	v9 =	vld [tilespmem:s16+$0x0]  }
0xc6: {  	v10 =	vld [tilespmem:s16+$0x60]  }
0xc7: {  	v11 =	vld [tilespmem:s16+$0x50]  }
0xc8: {  	[tilespmem:v2+s11+$0x0] =	vst.idx.add.s32.msk $0xffff, v1  }
0xc9: {  	[tilespmem:v5+s11+$0x0] =	vst.idx.add.s32.msk $0xffff, v1  }
0xca: {  	v2 =	vld [tilespmem:s16+$0xFFFFFE10]  }
0xcb: {  	v5 =	vld [tilespmem:s16+$0xFFFFFE20]  }
0xcc: {  	v12 =	vld [tilespmem:s16+$0x20]  }
0xcd: {  	v13 =	vld [tilespmem:s16+$0x10]  }
0xce: {  	[tilespmem:v10+s11+$0x0] =	vst.idx.add.s32.msk $0xffff, v1  }
0xcf: {  	[tilespmem:v11+s11+$0x0] =	vst.idx.add.s32.msk $0xffff, v1  }
0xd0: {  	[tilespmem:v4+s11+$0x0] =	vst.idx.add.s32.msk $0xffff, v1  }
0xd1: {  	[tilespmem:v3+s11+$0x0] =	vst.idx.add.s32.msk $0xffff, v1  }
0xd2: {  	v3 =	vld [tilespmem:s16+$0xFFFFFE40]  }
0xd3: {  	v4 =	vld [tilespmem:s16+$0xFFFFFE30]  }
0xd4: {  	[tilespmem:v12+s11+$0x0] =	vst.idx.add.s32.msk $0xffff, v1  }
0xd5: {  	[tilespmem:v13+s11+$0x0] =	vst.idx.add.s32.msk $0xffff, v1  }
0xd6: {  	[tilespmem:v9+s11+$0x0] =	vst.idx.add.s32.msk $0xffff, v1  }
0xd7: {  	[tilespmem:v8+s11+$0x0] =	vst.idx.add.s32.msk $0xffff, v1  }
.Ltmp6:
0xd8: {  	[tilespmem:v7+s11+$0x0] =	vst.idx.add.s32.msk $0xffff, v1;
	(pc) =	sbr.rel @p0 .LBB2_14-.Ltmp6, $4  }
0xd9: {  	[tilespmem:v6+s11+$0x0] =	vst.idx.add.s32.msk $0xffff, v1  }
0xda: {  	[tilespmem:v3+s11+$0x0] =	vst.idx.add.s32.msk $0xffff, v1  }
0xdb: {  	[tilespmem:v4+s11+$0x0] =	vst.idx.add.s32.msk $0xffff, v1  }
0xdc: {  	[tilespmem:v5+s11+$0x0] =	vst.idx.add.s32.msk $0xffff, v1  }
0xdd: {  	_ =	sdelay $0x3  }
0xde: {  	[tilespmem:v2+s11+$0x0] =	vst.idx.add.s32.msk $0xffff, v1  }
0xdf: {  	v2 =	vld [tilespmem:$0x7C80];
	_ =	sdelay $0x7  }
0xe0: {  	[tilespmem:v2+s11+$0x0] =	vst.idx.add.s32.msk $0xffff, v1  }
0xe1: {  	v2 =	vld [tilespmem:$0x7C90];
	_ =	sdelay $0x7  }
0xe2: {  	[tilespmem:v2+s11+$0x0] =	vst.idx.add.s32.msk $0xffff, v1  }
0xe3: {  	v2 =	vld [tilespmem:$0x7CA0];
	_ =	sdelay $0x7  }
0xe4: {  	[tilespmem:v2+s11+$0x0] =	vst.idx.add.s32.msk $0xffff, v1  }
0xe5: {  	v2 =	vld [tilespmem:$0x7CB0];
	_ =	sdelay $0x7  }
0xe6: {  	[tilespmem:v2+s11+$0x0] =	vst.idx.add.s32.msk $0xffff, v1  }
0xe7: {  	v2 =	vld [tilespmem:$0x7CC0];
	_ =	sdelay $0x7  }
0xe8: {  	[tilespmem:v2+s11+$0x0] =	vst.idx.add.s32.msk $0xffff, v1  }
0xe9: {  	v2 =	vld [tilespmem:$0x7CD0];
	_ =	sdelay $0x7  }
0xea: {  	[tilespmem:v2+s11+$0x0] =	vst.idx.add.s32.msk $0xffff, v1  }
0xeb: {  	v2 =	vld [tilespmem:$0x7CE0];
	_ =	sdelay $0x7  }
0xec: {  	[tilespmem:v2+s11+$0x0] =	vst.idx.add.s32.msk $0xffff, v1  }
0xed: {  	v2 =	vld [tilespmem:$0x7CF0];
	_ =	sdelay $0x7  }
0xee: {  	[tilespmem:v2+s11+$0x0] =	vst.idx.add.s32.msk $0xffff, v1  }
0xef: {  	v2 =	vld [tilespmem:$0x7E80];
	_ =	sdelay $0x7  }
0xf0: {  	[tilespmem:v2+s11+$0x0] =	vst.idx.add.s32.msk $0xffff, v1  }
0xf1: {  	v2 =	vld [tilespmem:$0x7E90];
	_ =	sdelay $0x7  }
0xf2: {  	[tilespmem:v2+s11+$0x0] =	vst.idx.add.s32.msk $0xffff, v1  }
0xf3: {  	v2 =	vld [tilespmem:$0x7EA0];
	_ =	sdelay $0x7  }
0xf4: {  	[tilespmem:v2+s11+$0x0] =	vst.idx.add.s32.msk $0xffff, v1  }
0xf5: {  	v2 =	vld [tilespmem:$0x7EB0];
	_ =	sdelay $0x7  }
0xf6: {  	[tilespmem:v2+s11+$0x0] =	vst.idx.add.s32.msk $0xffff, v1  }
0xf7: {  	v2 =	vld [tilespmem:$0x7EC0];
	_ =	sdelay $0x7  }
0xf8: {  	[tilespmem:v2+s11+$0x0] =	vst.idx.add.s32.msk $0xffff, v1  }
0xf9: {  	v2 =	vld [tilespmem:$0x7ED0];
	_ =	sdelay $0x7  }
0xfa: {  	[tilespmem:v2+s11+$0x0] =	vst.idx.add.s32.msk $0xffff, v1  }
0xfb: {  	v2 =	vld [tilespmem:$0x7EE0];
	_ =	sdelay $0x7  }
0xfc: {  	[tilespmem:v2+s11+$0x0] =	vst.idx.add.s32.msk $0xffff, v1  }
0xfd: {  	v2 =	vld [tilespmem:$0x7EF0];
	_ =	sdelay $0x7  }
0xfe: {  	[tilespmem:v2+s11+$0x0] =	vst.idx.add.s32.msk $0x1fff, v1  }
0xff: {  	_ =	swait.ge [sflag:s9], $0x2000  }
0x100: {  	[sflag:s9] =	ssyncset.done $0x0  }
0x101: {  	s16 =	simm.s32 $0x300;
	[sflag:s9] =	ssyncadd.s32 $0xFFFFE000  }
0x102: {  	v3 =	vld [tilespmem:s16+$0x30]  }
0x103: {  	v4 =	vld [tilespmem:s16+$0x40]  }
0x104: {  	v2 =	vld [tilespmem:s16+$0xFFFFFE00]  }
0x105: {  	v5 =	vld [tilespmem:s16+$0x70]  }
0x106: {  	v6 =	vld [tilespmem:s16+$0xFFFFFE50]  }
0x107: {  	v7 =	vld [tilespmem:s16+$0xFFFFFE60]  }
0x108: {  	v8 =	vld [tilespmem:s16+$0xFFFFFE70]  }
0x109: {  	v9 =	vld [tilespmem:s16+$0x0]  }
0x10a: {  	v10 =	vld [tilespmem:s16+$0x60]  }
0x10b: {  	v11 =	vld [tilespmem:s16+$0x50]  }
0x10c: {  	v62 =	vld [tilespmem:s16+$0xFFFFFE20]  }
0x10d: {  	v12 =	vld [tilespmem:s16+$0x20]  }
0x10e: {  	v13 =	vld [tilespmem:s16+$0x10]  }
0x10f: {  	v63 =	vld [tilespmem:s16+$0xFFFFFE30]  }
0x110: {  	[tilespmem:v2+s12+$0x0] =	vst.idx.add.s32.msk $0xffff, v1  }
0x111: {  	[tilespmem:v5+s12+$0x0] =	vst.idx.add.s32.msk $0xffff, v1  }
0x112: {  	v2 =	vld [tilespmem:s16+$0xFFFFFE10]  }
0x113: {  	[tilespmem:v10+s12+$0x0] =	vst.idx.add.s32.msk $0xffff, v1  }
0x114: {  	[tilespmem:v11+s12+$0x0] =	vst.idx.add.s32.msk $0xffff, v1  }
0x115: {  	[tilespmem:v4+s12+$0x0] =	vst.idx.add.s32.msk $0xffff, v1  }
0x116: {  	[tilespmem:v3+s12+$0x0] =	vst.idx.add.s32.msk $0xffff, v1  }
0x117: {  	v3 =	vld [tilespmem:s16+$0xFFFFFE40]  }
0x118: {  	[tilespmem:v12+s12+$0x0] =	vst.idx.add.s32.msk $0xffff, v1  }
0x119: {  	[tilespmem:v13+s12+$0x0] =	vst.idx.add.s32.msk $0xffff, v1  }
0x11a: {  	[tilespmem:v9+s12+$0x0] =	vst.idx.add.s32.msk $0xffff, v1  }
0x11b: {  	[tilespmem:v8+s12+$0x0] =	vst.idx.add.s32.msk $0xffff, v1  }
0x11c: {  	[tilespmem:v7+s12+$0x0] =	vst.idx.add.s32.msk $0xffff, v1  }
0x11d: {  	[tilespmem:v6+s12+$0x0] =	vst.idx.add.s32.msk $0xffff, v1  }
0x11e: {  	[tilespmem:v63+s12+$0x0] =	vst.idx.add.s32.msk $0xffff, v1  }
0x11f: {  	[tilespmem:v62+s12+$0x0] =	vst.idx.add.s32.msk $0xffff, v1  }
0x120: {  	s17 =	simm.s32 $0x0;
	[tilespmem:v3+s12+$0x0] =	vst.idx.add.s32.msk $0xffff, v1  }
.LBB2_16:
0x121: {  	s17 =	sadd.s32 $0x10, s17;
	[tilespmem:v2+s12+$0x0] =	vst.idx.add.s32.msk $0xffff, v1;
	s16 =	sadd.s32 $0x400, s16  }
0x122: {  	v3 =	vld [tilespmem:s16+$0x30];
	p0 =	slt.u32 s17, $0x1E0  }
0x123: {  	v4 =	vld [tilespmem:s16+$0x40]  }
0x124: {  	v2 =	vld [tilespmem:s16+$0xFFFFFE00]  }
0x125: {  	v5 =	vld [tilespmem:s16+$0x70]  }
0x126: {  	v6 =	vld [tilespmem:s16+$0xFFFFFE50]  }
0x127: {  	v7 =	vld [tilespmem:s16+$0xFFFFFE60]  }
0x128: {  	v8 =	vld [tilespmem:s16+$0xFFFFFE70]  }
0x129: {  	v9 =	vld [tilespmem:s16+$0x0]  }
0x12a: {  	v10 =	vld [tilespmem:s16+$0x60]  }
0x12b: {  	v11 =	vld [tilespmem:s16+$0x50]  }
0x12c: {  	[tilespmem:v2+s12+$0x0] =	vst.idx.add.s32.msk $0xffff, v1  }
0x12d: {  	[tilespmem:v5+s12+$0x0] =	vst.idx.add.s32.msk $0xffff, v1  }
0x12e: {  	v2 =	vld [tilespmem:s16+$0xFFFFFE10]  }
0x12f: {  	v5 =	vld [tilespmem:s16+$0xFFFFFE20]  }
0x130: {  	v12 =	vld [tilespmem:s16+$0x20]  }
0x131: {  	v13 =	vld [tilespmem:s16+$0x10]  }
0x132: {  	[tilespmem:v10+s12+$0x0] =	vst.idx.add.s32.msk $0xffff, v1  }
0x133: {  	[tilespmem:v11+s12+$0x0] =	vst.idx.add.s32.msk $0xffff, v1  }
0x134: {  	[tilespmem:v4+s12+$0x0] =	vst.idx.add.s32.msk $0xffff, v1  }
0x135: {  	[tilespmem:v3+s12+$0x0] =	vst.idx.add.s32.msk $0xffff, v1  }
0x136: {  	v3 =	vld [tilespmem:s16+$0xFFFFFE40]  }
0x137: {  	v4 =	vld [tilespmem:s16+$0xFFFFFE30]  }
0x138: {  	[tilespmem:v12+s12+$0x0] =	vst.idx.add.s32.msk $0xffff, v1  }
0x139: {  	[tilespmem:v13+s12+$0x0] =	vst.idx.add.s32.msk $0xffff, v1  }
0x13a: {  	[tilespmem:v9+s12+$0x0] =	vst.idx.add.s32.msk $0xffff, v1  }
0x13b: {  	[tilespmem:v8+s12+$0x0] =	vst.idx.add.s32.msk $0xffff, v1  }
.Ltmp7:
0x13c: {  	[tilespmem:v7+s12+$0x0] =	vst.idx.add.s32.msk $0xffff, v1;
	(pc) =	sbr.rel @p0 .LBB2_16-.Ltmp7, $4  }
0x13d: {  	[tilespmem:v6+s12+$0x0] =	vst.idx.add.s32.msk $0xffff, v1  }
0x13e: {  	[tilespmem:v3+s12+$0x0] =	vst.idx.add.s32.msk $0xffff, v1  }
0x13f: {  	[tilespmem:v4+s12+$0x0] =	vst.idx.add.s32.msk $0xffff, v1  }
0x140: {  	[tilespmem:v5+s12+$0x0] =	vst.idx.add.s32.msk $0xffff, v1  }
0x141: {  	_ =	sdelay $0x3  }
0x142: {  	[tilespmem:v2+s12+$0x0] =	vst.idx.add.s32.msk $0xffff, v1  }
0x143: {  	v2 =	vld [tilespmem:$0x7D00];
	_ =	sdelay $0x7  }
0x144: {  	[tilespmem:v2+s12+$0x0] =	vst.idx.add.s32.msk $0xffff, v1  }
0x145: {  	v2 =	vld [tilespmem:$0x7D10];
	_ =	sdelay $0x7  }
0x146: {  	[tilespmem:v2+s12+$0x0] =	vst.idx.add.s32.msk $0xffff, v1  }
0x147: {  	v2 =	vld [tilespmem:$0x7D20];
	_ =	sdelay $0x7  }
0x148: {  	[tilespmem:v2+s12+$0x0] =	vst.idx.add.s32.msk $0xffff, v1  }
0x149: {  	v2 =	vld [tilespmem:$0x7D30];
	_ =	sdelay $0x7  }
0x14a: {  	[tilespmem:v2+s12+$0x0] =	vst.idx.add.s32.msk $0xffff, v1  }
0x14b: {  	v2 =	vld [tilespmem:$0x7D40];
	_ =	sdelay $0x7  }
0x14c: {  	[tilespmem:v2+s12+$0x0] =	vst.idx.add.s32.msk $0xffff, v1  }
0x14d: {  	v2 =	vld [tilespmem:$0x7D50];
	_ =	sdelay $0x7  }
0x14e: {  	[tilespmem:v2+s12+$0x0] =	vst.idx.add.s32.msk $0xffff, v1  }
0x14f: {  	v2 =	vld [tilespmem:$0x7D60];
	_ =	sdelay $0x7  }
0x150: {  	[tilespmem:v2+s12+$0x0] =	vst.idx.add.s32.msk $0xffff, v1  }
0x151: {  	v2 =	vld [tilespmem:$0x7D70];
	_ =	sdelay $0x7  }
0x152: {  	[tilespmem:v2+s12+$0x0] =	vst.idx.add.s32.msk $0xffff, v1  }
0x153: {  	v2 =	vld [tilespmem:$0x7F00];
	_ =	sdelay $0x7  }
0x154: {  	[tilespmem:v2+s12+$0x0] =	vst.idx.add.s32.msk $0xffff, v1  }
0x155: {  	v2 =	vld [tilespmem:$0x7F10];
	_ =	sdelay $0x7  }
0x156: {  	[tilespmem:v2+s12+$0x0] =	vst.idx.add.s32.msk $0xffff, v1  }
0x157: {  	v2 =	vld [tilespmem:$0x7F20];
	_ =	sdelay $0x7  }
0x158: {  	[tilespmem:v2+s12+$0x0] =	vst.idx.add.s32.msk $0xffff, v1  }
0x159: {  	v2 =	vld [tilespmem:$0x7F30];
	_ =	sdelay $0x7  }
0x15a: {  	[tilespmem:v2+s12+$0x0] =	vst.idx.add.s32.msk $0xffff, v1  }
0x15b: {  	v2 =	vld [tilespmem:$0x7F40];
	_ =	sdelay $0x7  }
0x15c: {  	[tilespmem:v2+s12+$0x0] =	vst.idx.add.s32.msk $0xffff, v1  }
0x15d: {  	v2 =	vld [tilespmem:$0x7F50];
	_ =	sdelay $0x7  }
0x15e: {  	[tilespmem:v2+s12+$0x0] =	vst.idx.add.s32.msk $0xffff, v1  }
0x15f: {  	v2 =	vld [tilespmem:$0x7F60];
	_ =	sdelay $0x7  }
0x160: {  	[tilespmem:v2+s12+$0x0] =	vst.idx.add.s32.msk $0xffff, v1  }
0x161: {  	v2 =	vld [tilespmem:$0x7F70];
	_ =	sdelay $0x7  }
0x162: {  	[tilespmem:v2+s12+$0x0] =	vst.idx.add.s32.msk $0x1fff, v1  }
0x163: {  	_ =	swait.ge [sflag:s9], $0x2000  }
0x164: {  	[sflag:s9] =	ssyncset.done $0x0  }
0x165: {  	s16 =	simm.s32 $0x380;
	[sflag:s9] =	ssyncadd.s32 $0xFFFFE000  }
0x166: {  	v3 =	vld [tilespmem:s16+$0x30]  }
0x167: {  	v4 =	vld [tilespmem:s16+$0x40]  }
0x168: {  	v2 =	vld [tilespmem:s16+$0xFFFFFE00]  }
0x169: {  	v5 =	vld [tilespmem:s16+$0x70]  }
0x16a: {  	v6 =	vld [tilespmem:s16+$0xFFFFFE50]  }
0x16b: {  	v7 =	vld [tilespmem:s16+$0xFFFFFE60]  }
0x16c: {  	v8 =	vld [tilespmem:s16+$0xFFFFFE70]  }
0x16d: {  	v9 =	vld [tilespmem:s16+$0x0]  }
0x16e: {  	v10 =	vld [tilespmem:s16+$0x60]  }
0x16f: {  	v11 =	vld [tilespmem:s16+$0x50]  }
0x170: {  	v62 =	vld [tilespmem:s16+$0xFFFFFE20]  }
0x171: {  	v12 =	vld [tilespmem:s16+$0x20]  }
0x172: {  	v13 =	vld [tilespmem:s16+$0x10]  }
0x173: {  	v63 =	vld [tilespmem:s16+$0xFFFFFE30]  }
0x174: {  	[tilespmem:v2+s13+$0x0] =	vst.idx.add.s32.msk $0xffff, v1  }
0x175: {  	[tilespmem:v5+s13+$0x0] =	vst.idx.add.s32.msk $0xffff, v1  }
0x176: {  	v2 =	vld [tilespmem:s16+$0xFFFFFE10]  }
0x177: {  	[tilespmem:v10+s13+$0x0] =	vst.idx.add.s32.msk $0xffff, v1  }
0x178: {  	[tilespmem:v11+s13+$0x0] =	vst.idx.add.s32.msk $0xffff, v1  }
0x179: {  	[tilespmem:v4+s13+$0x0] =	vst.idx.add.s32.msk $0xffff, v1  }
0x17a: {  	[tilespmem:v3+s13+$0x0] =	vst.idx.add.s32.msk $0xffff, v1  }
0x17b: {  	v3 =	vld [tilespmem:s16+$0xFFFFFE40]  }
0x17c: {  	[tilespmem:v12+s13+$0x0] =	vst.idx.add.s32.msk $0xffff, v1  }
0x17d: {  	[tilespmem:v13+s13+$0x0] =	vst.idx.add.s32.msk $0xffff, v1  }
0x17e: {  	[tilespmem:v9+s13+$0x0] =	vst.idx.add.s32.msk $0xffff, v1  }
0x17f: {  	[tilespmem:v8+s13+$0x0] =	vst.idx.add.s32.msk $0xffff, v1  }
0x180: {  	[tilespmem:v7+s13+$0x0] =	vst.idx.add.s32.msk $0xffff, v1  }
0x181: {  	[tilespmem:v6+s13+$0x0] =	vst.idx.add.s32.msk $0xffff, v1  }
0x182: {  	[tilespmem:v63+s13+$0x0] =	vst.idx.add.s32.msk $0xffff, v1  }
0x183: {  	[tilespmem:v62+s13+$0x0] =	vst.idx.add.s32.msk $0xffff, v1  }
0x184: {  	s17 =	simm.s32 $0x0;
	[tilespmem:v3+s13+$0x0] =	vst.idx.add.s32.msk $0xffff, v1  }
.LBB2_18:
0x185: {  	s17 =	sadd.s32 $0x10, s17;
	[tilespmem:v2+s13+$0x0] =	vst.idx.add.s32.msk $0xffff, v1;
	s16 =	sadd.s32 $0x400, s16  }
0x186: {  	v3 =	vld [tilespmem:s16+$0x30];
	p0 =	slt.u32 s17, $0x1E0  }
0x187: {  	v4 =	vld [tilespmem:s16+$0x40]  }
0x188: {  	v2 =	vld [tilespmem:s16+$0xFFFFFE00]  }
0x189: {  	v5 =	vld [tilespmem:s16+$0x70]  }
0x18a: {  	v6 =	vld [tilespmem:s16+$0xFFFFFE50]  }
0x18b: {  	v7 =	vld [tilespmem:s16+$0xFFFFFE60]  }
0x18c: {  	v8 =	vld [tilespmem:s16+$0xFFFFFE70]  }
0x18d: {  	v9 =	vld [tilespmem:s16+$0x0]  }
0x18e: {  	v10 =	vld [tilespmem:s16+$0x60]  }
0x18f: {  	v11 =	vld [tilespmem:s16+$0x50]  }
0x190: {  	[tilespmem:v2+s13+$0x0] =	vst.idx.add.s32.msk $0xffff, v1  }
0x191: {  	[tilespmem:v5+s13+$0x0] =	vst.idx.add.s32.msk $0xffff, v1  }
0x192: {  	v2 =	vld [tilespmem:s16+$0xFFFFFE10]  }
0x193: {  	v5 =	vld [tilespmem:s16+$0xFFFFFE20]  }
0x194: {  	v12 =	vld [tilespmem:s16+$0x20]  }
0x195: {  	v13 =	vld [tilespmem:s16+$0x10]  }
0x196: {  	[tilespmem:v10+s13+$0x0] =	vst.idx.add.s32.msk $0xffff, v1  }
0x197: {  	[tilespmem:v11+s13+$0x0] =	vst.idx.add.s32.msk $0xffff, v1  }
0x198: {  	[tilespmem:v4+s13+$0x0] =	vst.idx.add.s32.msk $0xffff, v1  }
0x199: {  	[tilespmem:v3+s13+$0x0] =	vst.idx.add.s32.msk $0xffff, v1  }
0x19a: {  	v3 =	vld [tilespmem:s16+$0xFFFFFE40]  }
0x19b: {  	v4 =	vld [tilespmem:s16+$0xFFFFFE30]  }
0x19c: {  	[tilespmem:v12+s13+$0x0] =	vst.idx.add.s32.msk $0xffff, v1  }
0x19d: {  	[tilespmem:v13+s13+$0x0] =	vst.idx.add.s32.msk $0xffff, v1  }
0x19e: {  	[tilespmem:v9+s13+$0x0] =	vst.idx.add.s32.msk $0xffff, v1  }
0x19f: {  	[tilespmem:v8+s13+$0x0] =	vst.idx.add.s32.msk $0xffff, v1  }
.Ltmp8:
0x1a0: {  	[tilespmem:v7+s13+$0x0] =	vst.idx.add.s32.msk $0xffff, v1;
	(pc) =	sbr.rel @p0 .LBB2_18-.Ltmp8, $4  }
0x1a1: {  	[tilespmem:v6+s13+$0x0] =	vst.idx.add.s32.msk $0xffff, v1  }
0x1a2: {  	[tilespmem:v3+s13+$0x0] =	vst.idx.add.s32.msk $0xffff, v1  }
0x1a3: {  	[tilespmem:v4+s13+$0x0] =	vst.idx.add.s32.msk $0xffff, v1  }
0x1a4: {  	[tilespmem:v5+s13+$0x0] =	vst.idx.add.s32.msk $0xffff, v1  }
0x1a5: {  	_ =	sdelay $0x3  }
0x1a6: {  	[tilespmem:v2+s13+$0x0] =	vst.idx.add.s32.msk $0xffff, v1  }
0x1a7: {  	v2 =	vld [tilespmem:$0x7D80];
	_ =	sdelay $0x7  }
0x1a8: {  	[tilespmem:v2+s13+$0x0] =	vst.idx.add.s32.msk $0xffff, v1  }
0x1a9: {  	v2 =	vld [tilespmem:$0x7D90];
	_ =	sdelay $0x7  }
0x1aa: {  	[tilespmem:v2+s13+$0x0] =	vst.idx.add.s32.msk $0xffff, v1  }
0x1ab: {  	v2 =	vld [tilespmem:$0x7DA0];
	_ =	sdelay $0x7  }
0x1ac: {  	[tilespmem:v2+s13+$0x0] =	vst.idx.add.s32.msk $0xffff, v1  }
0x1ad: {  	v2 =	vld [tilespmem:$0x7DB0];
	_ =	sdelay $0x7  }
0x1ae: {  	[tilespmem:v2+s13+$0x0] =	vst.idx.add.s32.msk $0xffff, v1  }
0x1af: {  	v2 =	vld [tilespmem:$0x7DC0];
	_ =	sdelay $0x7  }
0x1b0: {  	[tilespmem:v2+s13+$0x0] =	vst.idx.add.s32.msk $0xffff, v1  }
0x1b1: {  	v2 =	vld [tilespmem:$0x7DD0];
	_ =	sdelay $0x7  }
0x1b2: {  	[tilespmem:v2+s13+$0x0] =	vst.idx.add.s32.msk $0xffff, v1  }
0x1b3: {  	v2 =	vld [tilespmem:$0x7DE0];
	_ =	sdelay $0x7  }
0x1b4: {  	[tilespmem:v2+s13+$0x0] =	vst.idx.add.s32.msk $0xffff, v1  }
0x1b5: {  	v2 =	vld [tilespmem:$0x7DF0];
	_ =	sdelay $0x7  }
0x1b6: {  	[tilespmem:v2+s13+$0x0] =	vst.idx.add.s32.msk $0xffff, v1  }
0x1b7: {  	v2 =	vld [tilespmem:$0x7F80];
	_ =	sdelay $0x7  }
0x1b8: {  	[tilespmem:v2+s13+$0x0] =	vst.idx.add.s32.msk $0xffff, v1  }
0x1b9: {  	v2 =	vld [tilespmem:$0x7F90];
	_ =	sdelay $0x7  }
0x1ba: {  	[tilespmem:v2+s13+$0x0] =	vst.idx.add.s32.msk $0xffff, v1  }
0x1bb: {  	v2 =	vld [tilespmem:$0x7FA0];
	_ =	sdelay $0x7  }
0x1bc: {  	[tilespmem:v2+s13+$0x0] =	vst.idx.add.s32.msk $0xffff, v1  }
0x1bd: {  	v2 =	vld [tilespmem:$0x7FB0];
	_ =	sdelay $0x7  }
0x1be: {  	[tilespmem:v2+s13+$0x0] =	vst.idx.add.s32.msk $0xffff, v1  }
0x1bf: {  	v2 =	vld [tilespmem:$0x7FC0];
	_ =	sdelay $0x7  }
0x1c0: {  	[tilespmem:v2+s13+$0x0] =	vst.idx.add.s32.msk $0xffff, v1  }
0x1c1: {  	v2 =	vld [tilespmem:$0x7FD0];
	_ =	sdelay $0x7  }
0x1c2: {  	[tilespmem:v2+s13+$0x0] =	vst.idx.add.s32.msk $0xffff, v1  }
0x1c3: {  	v2 =	vld [tilespmem:$0x7FE0];
	_ =	sdelay $0x7  }
0x1c4: {  	[tilespmem:v2+s13+$0x0] =	vst.idx.add.s32.msk $0xffff, v1  }
0x1c5: {  	v2 =	vld [tilespmem:$0x7FF0];
	_ =	sdelay $0x5  }
0x1c6: {  	s15 =	sadd.s32 $0x1, s15  }
0x1c7: {  	p0 =	sne.s32 s15, s8  }
.Ltmp9:
0x1c8: {  	[tilespmem:v2+s13+$0x0] =	vst.idx.add.s32.msk $0x1fff, v1;
	(pc) =	sbr.rel @p0 .LBB2_1-.Ltmp9, $4  }
0x1c9: {  	[hbm4b:s7+s2] =	stream.linear.scatter [tilespmem:s10], [sflag:$0x2], $0x400, $0x38;
	[tilespmem:$0x8400] =	vst v63  }
0x1ca: {  	_ =	swait.ge [sflag:s14], $0x400  }
0x1cb: {  	[sflag:s14] =	ssyncset.done $0x0  }
0x1cc: {  	[sflag:s14] =	ssyncadd.s32 $0xFFFFFC00  }
0x1cd: {  	_ =	sfence.sel $0x180000  }
0x1ce: {  	[bflag:$0x0] =	sbarrier.arrive $0xFFFF  }
0x1cf: {  	p0 =	sne.s32 s1, $0x0;
	_ =	strace $0x90000047  }
0x1d0: {  	s0 =	sadd.s32 @!p0 $0x100000, s0;
	[bflag:$0x2] =	sbarrier.arrive $0xFFFF  }
0x1d1: {  	[sflag:s0] =	ssyncadd.tile.s32 @!p0 $0x1;
	_ =	shalt  }
.Lfunc_end2:
_tile_overlayer_lowered:
.L_overlay_start_2:
0x1d2: {  	(tag) =	ssettag $0x2  }
0x1d3: {  	s0 =	rddreg [dreg:$0x0];
	s2 =	stileid.u32  }
0x1d4: {  	s1 =	rddreg [dreg:$0x1];
	p0 =	sne.s32 s2, $0x0  }
0x1d5: {  	s3 =	rddreg [dreg:$0x2];
	[bflag:$0x3] =	sbarrier.arrive $0xFFFF;
	s2 =	simm.s32 @!p0 $0x1C02  }
0x1d6: {  	[timem:s3], [sflag:s2] =	dma.local @!p0 [hbm:s0], s1  }
0x1d7: {  	s0 =	simm.s32 @!p0 $0x2  }
0x1d8: {  	_ =	swait.ge @!p0 [sflag:s0], s1  }
0x1d9: {  	s1 =	ssub.s32 @!p0 $0x0, s1;
	[sflag:s0] =	ssyncset.done @!p0 $0x0  }
0x1da: {  	[sflag:s0] =	ssyncadd.s32 @!p0 s1  }
0x1db: {  	[bflag:$0x3] =	sbarrier.arrive $0xFFFF  }
0x1dc: {  	_ =	shalt  }

</sc_bundles>
